<compile_context>
chip_gen: v7x
topology: tpu7x:2x2x1
jax: 0.10.2.dev20260603
libtpu: 0.0.44.dev20260713+nightly
codegen_flags: <defaults>
</compile_context>

<pallas_src>
import jax
import jax.numpy as jnp
from jax import lax
from jax.experimental import pallas as pl
from jax.experimental.pallas import tpu as pltpu
from jax.experimental.pallas import tpu_sc as plsc

_N = 16384
_H = 512
_NSEG = 256
_MIN_FRAG = 3.0
_CONSISTENCY_FACTOR = 0.03
_INTER_WEIGHT = 0.2
_SCALING = 0.05

_BLK = 2048
_NBLK = _N // _BLK

_NC = 2
_NS = 16
_NBAND = 4
_NCOL = 8
_BAND = _N // _NBAND
_CH = 256
_NCHUNK = _BAND // _CH
_KSUB = 1
_CNT_REG = _NCOL * _KSUB
_NOUT = _NC * _NCOL + 2


def _proj_kernel(x_ref, gamma_ref, beta_ref, w_ref, b_ref, ff_ref):
    x = x_ref[...]
    mu = jnp.mean(x, axis=-1, keepdims=True)
    var = jnp.mean((x - mu) * (x - mu), axis=-1, keepdims=True)
    a = (x - mu) * lax.rsqrt(var + 1e-5)
    a = a * gamma_ref[...] + beta_ref[...]
    y = lax.dot_general(a, w_ref[...], (((1,), (1,)), ((), ())),
                        preferred_element_type=jnp.float32)
    y = y + b_ref[...]
    f = y * jax.nn.sigmoid(y)
    rn = jnp.sqrt(jnp.sum(f * f, axis=1, keepdims=True))
    fn = f / jnp.maximum(rn, 1e-12)
    ff_ref[...] = jnp.concatenate([f, fn], axis=1)


def _sc_body(ff_hbm, sids_hbm, ident_hbm, zer_hbm, e0_hbm, out_hbm,
             acc_sh, *scratch):
    sidx = scratch[:_NCHUNK]
    rows = scratch[_NCHUNK:_NCHUNK + 2]
    gsem = scratch[_NCHUNK + 2:_NCHUNK + 4]
    ssem = scratch[_NCHUNK + 4:_NCHUNK + 6]
    isem = scratch[_NCHUNK + 6]
    c = lax.axis_index("c")
    s = lax.axis_index("s")
    w = c * _NS + s
    band = w // _NCOL
    colslice = w % _NCOL
    row0 = pl.multiple_of(band * _BAND, _BAND)
    col0 = pl.multiple_of(colslice * 128, 128)
    base = pl.multiple_of(colslice * _KSUB * _NSEG, _NSEG)
    is_counter = colslice == 0

    idescs = [pltpu.async_copy(sids_hbm.at[colslice, band, j], sidx[j], isem)
              for j in range(_NCHUNK)]

    @pl.when(s < _NCOL)
    def _zero_region():
        pltpu.sync_copy(zer_hbm, acc_sh.at[pl.ds(base, _KSUB * _NSEG)])

    @pl.when(s == 0)
    def _zero_counts():
        pltpu.sync_copy(zer_hbm,
                        acc_sh.at[pl.ds(_CNT_REG * _NSEG, _KSUB * _NSEG)])

    for d in idescs:
        d.wait()
    plsc.subcore_barrier()

    def gather(j, b):
        return pltpu.async_copy(
            ff_hbm.at[pl.ds(row0 + j * _CH, _CH), pl.ds(col0, 128)],
            rows[b], gsem[b])

    gd = {0: gather(0, 0)}
    sd = {}
    for j in range(_NCHUNK):
        b = j % 2
        gd[b].wait()
        if j + 1 < _NCHUNK:
            b2 = (j + 1) % 2
            if b2 in sd:
                sd[b2].wait()
            gd[b2] = gather(j + 1, b2)
        sd[b] = pltpu.async_copy(rows[b], acc_sh.at[sidx[j]], ssem[b],
                                 add=True)
    for b in (0, 1):
        if b in sd:
            sd[b].wait()

    pltpu.sync_copy(e0_hbm, rows[0])
    for tt in range(_NCHUNK // _NCOL):
        jj = colslice * (_NCHUNK // _NCOL) + tt
        pltpu.sync_copy(sids_hbm.at[_NCOL, band, jj], sidx[tt])
        pltpu.sync_copy(rows[0], acc_sh.at[sidx[tt]], add=True)

    plsc.subcore_barrier()

    @pl.when(s < _NCOL)
    def _fold_out():
        for k in range(1, _KSUB):
            pltpu.sync_copy(ident_hbm.at[colslice, 0], sidx[0])
            pltpu.sync_copy(acc_sh.at[pl.ds(base + k * _NSEG, _NSEG)],
                            rows[0])
            pltpu.sync_copy(rows[0], acc_sh.at[sidx[0]], add=True)
        pltpu.sync_copy(acc_sh.at[pl.ds(base, _NSEG)],
                        out_hbm.at[c * _NCOL + colslice])

    @pl.when(s == 0)
    def _counts_out():
        for k in range(1, _KSUB):
            pltpu.sync_copy(ident_hbm.at[_NCOL, 0], sidx[0])
            pltpu.sync_copy(
                acc_sh.at[pl.ds((_CNT_REG + k) * _NSEG, _NSEG)], rows[0])
            pltpu.sync_copy(rows[0], acc_sh.at[sidx[0]], add=True)
        pltpu.sync_copy(acc_sh.at[pl.ds(_CNT_REG * _NSEG, _NSEG)],
                        out_hbm.at[_NC * _NCOL + c])


def _epi_kernel(seg_ref, out_ref):
    def region(r):
        return seg_ref[pl.ds(r * _NSEG, _NSEG), :]

    q1 = jnp.zeros((_NSEG, 1), jnp.float32)
    q12 = jnp.zeros((_NSEG, 1), jnp.float32)
    xs = []
    for k in range(4):
        xk = region(k) + region(_NCOL + k)
        yk = region(4 + k) + region(_NCOL + 4 + k)
        xs.append(xk)
        q1 = q1 + jnp.sum(xk * xk, axis=1, keepdims=True)
        q12 = q12 + jnp.sum(xk * yk, axis=1, keepdims=True)
    n1 = jnp.sqrt(q1)
    inv = 1.0 / jnp.maximum(n1, 1e-12)
    ssim = q12 * inv
    cnt = (region(16) + region(17))[:, 0:1]
    keep = (cnt >= _MIN_FRAG).astype(jnp.float32)
    numer = jnp.sum(keep * (cnt - ssim))
    denom = jnp.sum(keep * cnt)
    scalar_loss = numer / jnp.maximum(denom, 1e-12)

    tsq = 0.0
    for k in range(4):
        colsum = jnp.sum(xs[k] * inv, axis=0, keepdims=True)
        tsq = tsq + jnp.sum(colsum * colsum)
    tr = jnp.sum(q1 * inv * inv)
    inter = (tsq - tr) / (_NSEG * (_NSEG - 1) + 1e-6)
    total = scalar_loss + _INTER_WEIGHT * inter
    out_ref[...] = (_CONSISTENCY_FACTOR * _SCALING * total).reshape(1, 1)


def kernel(scalar_short, scalar_long, vector_short, vector_long, fragment_ids,
           ln_gamma, ln_beta, W, b):
    ff = pl.pallas_call(
        _proj_kernel,
        grid=(_NBLK,),
        in_specs=[
            pl.BlockSpec((_BLK, _H), lambda i: (i, 0)),
            pl.BlockSpec((1, _H), lambda i: (0, 0)),
            pl.BlockSpec((1, _H), lambda i: (0, 0)),
            pl.BlockSpec((_H, _H), lambda i: (0, 0)),
            pl.BlockSpec((1, _H), lambda i: (0, 0)),
        ],
        out_specs=pl.BlockSpec((_BLK, 2 * _H), lambda i: (i, 0)),
        out_shape=jax.ShapeDtypeStruct((_N, 2 * _H), jnp.float32),
        compiler_params=pltpu.CompilerParams(
            dimension_semantics=("arbitrary",),
        ),
    )(scalar_short, ln_gamma.reshape(1, _H), ln_beta.reshape(1, _H),
      W, b.reshape(1, _H))

    rot = jnp.arange(_N, dtype=jnp.int32) % _KSUB
    sids = (fragment_ids[None, :]
            + ((jnp.arange(_NCOL + 1, dtype=jnp.int32) * _KSUB)[:, None]
               + rot) * _NSEG)
    sids = sids.reshape(_NCOL + 1, _NBAND, _NCHUNK, _CH)
    ident = (jnp.arange(_NSEG, dtype=jnp.int32)[None, :]
             + (jnp.arange(_NCOL + 1, dtype=jnp.int32)
                * _KSUB * _NSEG)[:, None]).reshape(_NCOL + 1, 1, _NSEG)
    zer = jnp.zeros((_KSUB * _NSEG, 128), jnp.float32)
    e0r = jnp.zeros((_CH, 128), jnp.float32).at[:, 0].set(1.0)

    mesh = plsc.VectorSubcoreMesh(core_axis_name="c", subcore_axis_name="s",
                                  num_cores=_NC, num_subcores=_NS)
    segsums = pl.kernel(
        _sc_body,
        out_type=jax.ShapeDtypeStruct((_NOUT, _NSEG, 128), jnp.float32),
        mesh=mesh,
        scratch_types=[
            pltpu.VMEM_SHARED(((_NCOL + 1) * _KSUB * _NSEG, 128),
                              jnp.float32),
        ] + [pltpu.VMEM((_CH,), jnp.int32) for _ in range(_NCHUNK)] + [
            pltpu.VMEM((_CH, 128), jnp.float32),
            pltpu.VMEM((_CH, 128), jnp.float32),
            pltpu.SemaphoreType.DMA,
            pltpu.SemaphoreType.DMA,
            pltpu.SemaphoreType.DMA,
            pltpu.SemaphoreType.DMA,
            pltpu.SemaphoreType.DMA,
        ],
    )(ff, sids, ident, zer, e0r)

    out = pl.pallas_call(
        _epi_kernel,
        out_shape=jax.ShapeDtypeStruct((1, 1), jnp.float32),
    )(segsums.reshape(_NOUT * _NSEG, 128))
    return out.reshape(())

# --- scband reference (transcript-rebuilt; emitter-appended) ---
"""Pipeline reference for scband-mo-ecompatible-consistency-loss-15607911153866 (READ-ONLY COPY).

The authoritative reference and input builder live on the scoring server;
editing this copy changes nothing except your own understanding.
"""

import jax, jax.numpy as jnp
import numpy as np

N = 16384
H = 512
NSEG = 256
MIN_FRAG = 3
CONSISTENCY_FACTOR = 0.03
VECTOR_WEIGHT = 0.0
INTER_WEIGHT = 0.2
INIT_STRENGTH = 0.05
WARMUP = 15
CURRENT_EPOCH = 0


def _normalize(x, axis=1):
    n = jnp.linalg.norm(x, axis=axis, keepdims=True)
    return x / jnp.clip(n, 1e-12)


def _projector(x, ln_gamma, ln_beta, W, b):
    # LayerNorm(H) -> Linear(H, H) -> SiLU -> Dropout(eval: identity)
    mu = jnp.mean(x, axis=-1, keepdims=True)
    var = jnp.var(x, axis=-1, keepdims=True)
    xn = (x - mu) / jnp.sqrt(var + 1e-5)
    xn = xn * ln_gamma + ln_beta
    y = xn @ W.T + b
    return y * jax.nn.sigmoid(y)


def _fragment_consistency(features, frag_ids):
    # Equivalent to torch masked-loop version: fragments of size < MIN_FRAG are
    # dropped; mask keeps whole fragments so group means of valid fragments are
    # identical whether or not invalid atoms are removed first.
    counts = jnp.bincount(frag_ids, length=NSEG).astype(features.dtype)
    seg_sum = jax.ops.segment_sum(features, frag_ids, num_segments=NSEG)
    group = seg_sum / jnp.clip(counts, 1.0)[:, None]
    f_n = _normalize(features, axis=1)
    g_n = _normalize(group, axis=1)
    sim = jnp.sum(f_n * g_n[frag_ids], axis=1)
    dev = 1.0 - sim
    dev_mean = jax.ops.segment_sum(dev, frag_ids, num_segments=NSEG) / jnp.clip(counts, 1.0)
    keep = (counts >= MIN_FRAG).astype(features.dtype)
    w = counts * keep
    return jnp.sum(dev_mean * w) / jnp.clip(jnp.sum(w), 1e-12)


def _interfragment(scalar_features, frag_ids):
    counts = jnp.bincount(frag_ids, length=NSEG).astype(scalar_features.dtype)
    seg = jax.ops.segment_sum(scalar_features, frag_ids, num_segments=NSEG)
    seg = seg / jnp.clip(counts, 1.0)[:, None]
    fn = _normalize(seg, axis=1)
    simm = fn @ fn.T
    mask = jnp.ones_like(simm) - jnp.eye(NSEG, dtype=simm.dtype)
    return jnp.sum(simm * mask) / (jnp.sum(mask) + 1e-6)


def setup_inputs(seed: int = 0) -> dict:
    key = jax.random.key(seed)
    ks = jax.random.split(key, 8)
    scalar_short = jax.random.normal(ks[0], (N, H), dtype=jnp.float32)
    scalar_long = jax.random.normal(ks[1], (N, H), dtype=jnp.float32)
    vector_short = jax.random.normal(ks[2], (N, 64, 3), dtype=jnp.float32)
    vector_long = jax.random.normal(ks[3], (N, 64, 3), dtype=jnp.float32)
    fragment_ids = jnp.sort(jax.random.randint(ks[4], (N,), 0, NSEG, dtype=jnp.int32))
    ln_gamma = jnp.ones((H,), dtype=jnp.float32)
    ln_beta = jnp.zeros((H,), dtype=jnp.float32)
    W = jax.random.normal(ks[5], (H, H), dtype=jnp.float32) / np.sqrt(H)
    b = jnp.zeros((H,), dtype=jnp.float32)
    return {"scalar_short": scalar_short, "scalar_long": scalar_long,
            "vector_short": vector_short, "vector_long": vector_long,
            "fragment_ids": fragment_ids, "ln_gamma": ln_gamma,
            "ln_beta": ln_beta, "W": W, "b": b}


def reference(scalar_short, scalar_long, vector_short, vector_long, fragment_ids,
              ln_gamma, ln_beta, W, b):
    # progressive scaling: eval mode, epoch 0
    scaling = INIT_STRENGTH + (1.0 - INIT_STRENGTH) * min(1.0, CURRENT_EPOCH / WARMUP)
    feats = _projector(scalar_short, ln_gamma, ln_beta, W, b)
    scalar_loss = _fragment_consistency(feats, fragment_ids)
    # vector_weight == 0.0 -> vector branch skipped, interfragment uses scalar only
    inter = _interfragment(feats, fragment_ids)
    total = scalar_loss + VECTOR_WEIGHT * 0.0 + INTER_WEIGHT * inter
    return CONSISTENCY_FACTOR * total * scaling

if __name__ == "__main__":
    import jax
    _d = setup_inputs()
    print(jax.jit(kernel)(*tuple(_d.values())))

</pallas_src>

<mosaic_0001>
#map = affine_map<(d0, d1) -> (0, 0)>
#map1 = affine_map<(d0, d1) -> (0, 0, 0, 0)>
#map2 = affine_map<(d0, d1) -> (0, 0, 0)>
module attributes {stable_mosaic.version = 14 : i64} {
  func.func @_sc_body(%arg0: i32, %arg1: i32, %arg2: memref<16384x1024xf32, #tpu.memory_space<hbm>>, %arg3: memref<9x4x16x256xi32, #tpu.memory_space<hbm>>, %arg4: memref<9x1x256xi32, #tpu.memory_space<hbm>>, %arg5: memref<256x128xf32, #tpu.memory_space<hbm>>, %arg6: memref<256x128xf32, #tpu.memory_space<hbm>>, %arg7: memref<18x256x128xf32, #tpu.memory_space<hbm>>, %arg8: memref<2304x128xf32, #tpu.memory_space<vmem_shared>>, %arg9: memref<256xi32, #tpu.memory_space<vmem>>, %arg10: memref<256xi32, #tpu.memory_space<vmem>>, %arg11: memref<256xi32, #tpu.memory_space<vmem>>, %arg12: memref<256xi32, #tpu.memory_space<vmem>>, %arg13: memref<256xi32, #tpu.memory_space<vmem>>, %arg14: memref<256xi32, #tpu.memory_space<vmem>>, %arg15: memref<256xi32, #tpu.memory_space<vmem>>, %arg16: memref<256xi32, #tpu.memory_space<vmem>>, %arg17: memref<256xi32, #tpu.memory_space<vmem>>, %arg18: memref<256xi32, #tpu.memory_space<vmem>>, %arg19: memref<256xi32, #tpu.memory_space<vmem>>, %arg20: memref<256xi32, #tpu.memory_space<vmem>>, %arg21: memref<256xi32, #tpu.memory_space<vmem>>, %arg22: memref<256xi32, #tpu.memory_space<vmem>>, %arg23: memref<256xi32, #tpu.memory_space<vmem>>, %arg24: memref<256xi32, #tpu.memory_space<vmem>>, %arg25: memref<256x128xf32, #tpu.memory_space<vmem>>, %arg26: memref<256x128xf32, #tpu.memory_space<vmem>>, %arg27: memref<!tpu.dma_semaphore, #tpu.memory_space<semaphore_mem>>, %arg28: memref<!tpu.dma_semaphore, #tpu.memory_space<semaphore_mem>>, %arg29: memref<!tpu.dma_semaphore, #tpu.memory_space<semaphore_mem>>, %arg30: memref<!tpu.dma_semaphore, #tpu.memory_space<semaphore_mem>>, %arg31: memref<!tpu.dma_semaphore, #tpu.memory_space<semaphore_mem>>) attributes {dimension_semantics = [#tpu.dimension_semantics<core_parallel>, #tpu.dimension_semantics<subcore_parallel>], iteration_bounds = array<i64: 2, 16>, scalar_prefetch = 0 : i64, scratch_operands = 24 : i64, tpu.core_type = #tpu.core_type<sc_vector_subcore>, window_params = [{transform_indices = #map}, {transform_indices = #map1}, {transform_indices = #map2}, {transform_indices = #map}, {transform_indices = #map}, {transform_indices = #map2}]} {
    %mul3A = arith.constant 16 : i32
    %mul3A_0 = arith.muli %arg0, %mul3A : i32
    %add3A = arith.addi %mul3A_0, %arg1 : i32
    %jit3A = arith.constant 8 : i32
    %div3A = arith.divsi %add3A, %jit3A : i32
    %sign3A = arith.constant 0 : i32
    %sign3A_1 = arith.cmpi sgt, %add3A, %sign3A : i32
    %sign3A_2 = arith.extui %sign3A_1 : i1 to i32
    %sign3A_3 = arith.constant 0 : i32
    %sign3A_4 = arith.cmpi slt, %add3A, %sign3A_3 : i32
    %sign3A_5 = arith.extui %sign3A_4 : i1 to i32
    %sign3A_6 = arith.subi %sign3A_2, %sign3A_5 : i32
    %sign3A_7 = arith.constant 0 : i32
    %sign3A_8 = arith.cmpi sgt, %jit3A, %sign3A_7 : i32
    %sign3A_9 = arith.extui %sign3A_8 : i1 to i32
    %sign3A_10 = arith.constant 0 : i32
    %sign3A_11 = arith.cmpi slt, %jit3A, %sign3A_10 : i32
    %sign3A_12 = arith.extui %sign3A_11 : i1 to i32
    %sign3A_13 = arith.subi %sign3A_9, %sign3A_12 : i32
    %ne3A = arith.cmpi ne, %sign3A_6, %sign3A_13 : i32
    %rem3A = arith.remsi %add3A, %jit3A : i32
    %ne3A_14 = arith.constant 0 : i32
    %ne3A_15 = arith.cmpi ne, %rem3A, %ne3A_14 : i32
    %and3A = arith.andi %ne3A, %ne3A_15 : i1
    %sub3A = arith.constant 1 : i32
    %sub3A_16 = arith.subi %div3A, %sub3A : i32
    %select_n3A = arith.select %and3A, %sub3A_16, %div3A : i32
    %jit3A_17 = arith.constant 8 : i32
    %eq3A = arith.constant 0 : i32
    %eq3A_18 = arith.cmpi eq, %jit3A_17, %eq3A : i32
    %jit3A_19 = arith.constant 1 : i32
    %select_n3A_20 = arith.select %eq3A_18, %jit3A_19, %jit3A_17 : i32
    %rem3A_21 = arith.remsi %add3A, %select_n3A_20 : i32
    %ne3A_22 = arith.constant 0 : i32
    %ne3A_23 = arith.cmpi ne, %rem3A_21, %ne3A_22 : i32
    %lt3A = arith.constant 0 : i32
    %lt3A_24 = arith.cmpi slt, %rem3A_21, %lt3A : i32
    %lt3A_25 = arith.constant 0 : i32
    %lt3A_26 = arith.cmpi slt, %select_n3A_20, %lt3A_25 : i32
    %ne3A_27 = arith.xori %lt3A_24, %lt3A_26 : i1
    %and3A_28 = arith.andi %ne3A_27, %ne3A_23 : i1
    %add3A_29 = arith.addi %rem3A_21, %select_n3A_20 : i32
    %select_n3A_30 = arith.select %and3A_28, %add3A_29, %rem3A_21 : i32
    %mul3A_31 = arith.constant 4096 : i32
    %mul3A_32 = arith.muli %select_n3A, %mul3A_31 : i32
    %multiple_of3A = tpu.assume_multiple %mul3A_32, 4096 : i32
    %mul3A_33 = arith.constant 128 : i32
    %mul3A_34 = arith.muli %select_n3A_30, %mul3A_33 : i32
    %multiple_of3A_35 = tpu.assume_multiple %mul3A_34, 128 : i32
    %mul3A_36 = arith.constant 1 : i32
    %mul3A_37 = arith.muli %select_n3A_30, %mul3A_36 : i32
    %mul3A_38 = arith.constant 256 : i32
    %mul3A_39 = arith.muli %mul3A_37, %mul3A_38 : i32
    %multiple_of3A_40 = tpu.assume_multiple %mul3A_39, 256 : i32
    %eq3A_41 = arith.constant 0 : i32
    %eq3A_42 = arith.cmpi eq, %select_n3A_30, %eq3A_41 : i32
    %dma_start3A = arith.constant 0 : i32
    %dma_start3A_43 = arith.constant 0 : i32
    %dma_start3A_44 = tpu.memref_slice %arg3[%select_n3A_30, %select_n3A, %dma_start3A, %dma_start3A_43] : memref<9x4x16x256xi32, #tpu.memory_space<hbm>> -> memref<1x1x1x256xi32, #tpu.memory_space<hbm>>
    %dma_start3A_45 = tpu.memref_squeeze %dma_start3A_44 : memref<1x1x1x256xi32, #tpu.memory_space<hbm>> -> memref<256xi32, #tpu.memory_space<hbm>>
    %dma_start3A_46 = arith.constant 0 : i32
    %dma_start3A_47 = tpu.memref_slice %arg3[%select_n3A_30, %select_n3A, %dma_start3A, %dma_start3A_46] : memref<9x4x16x256xi32, #tpu.memory_space<hbm>> -> memref<1x1x1x256xi32, #tpu.memory_space<hbm>>
    %dma_start3A_48 = tpu.memref_squeeze %dma_start3A_47 : memref<1x1x1x256xi32, #tpu.memory_space<hbm>> -> memref<256xi32, #tpu.memory_space<hbm>>
    tpu.enqueue_dma source(%dma_start3A_48 : memref<256xi32, #tpu.memory_space<hbm>>) target(%arg9 : memref<256xi32, #tpu.memory_space<vmem>>) target_semaphore(%arg31 : memref<!tpu.dma_semaphore, #tpu.memory_space<semaphore_mem>>)
    %dma_start3A_49 = arith.constant 1 : i32
    %dma_start3A_50 = arith.constant 0 : i32
    %dma_start3A_51 = tpu.memref_slice %arg3[%select_n3A_30, %select_n3A, %dma_start3A_49, %dma_start3A_50] : memref<9x4x16x256xi32, #tpu.memory_space<hbm>> -> memref<1x1x1x256xi32, #tpu.memory_space<hbm>>
    %dma_start3A_52 = tpu.memref_squeeze %dma_start3A_51 : memref<1x1x1x256xi32, #tpu.memory_space<hbm>> -> memref<256xi32, #tpu.memory_space<hbm>>
    %dma_start3A_53 = arith.constant 0 : i32
    %dma_start3A_54 = tpu.memref_slice %arg3[%select_n3A_30, %select_n3A, %dma_start3A_49, %dma_start3A_53] : memref<9x4x16x256xi32, #tpu.memory_space<hbm>> -> memref<1x1x1x256xi32, #tpu.memory_space<hbm>>
    %dma_start3A_55 = tpu.memref_squeeze %dma_start3A_54 : memref<1x1x1x256xi32, #tpu.memory_space<hbm>> -> memref<256xi32, #tpu.memory_space<hbm>>
    tpu.enqueue_dma source(%dma_start3A_55 : memref<256xi32, #tpu.memory_space<hbm>>) target(%arg10 : memref<256xi32, #tpu.memory_space<vmem>>) target_semaphore(%arg31 : memref<!tpu.dma_semaphore, #tpu.memory_space<semaphore_mem>>)
    %dma_start3A_56 = arith.constant 2 : i32
    %dma_start3A_57 = arith.constant 0 : i32
    %dma_start3A_58 = tpu.memref_slice %arg3[%select_n3A_30, %select_n3A, %dma_start3A_56, %dma_start3A_57] : memref<9x4x16x256xi32, #tpu.memory_space<hbm>> -> memref<1x1x1x256xi32, #tpu.memory_space<hbm>>
    %dma_start3A_59 = tpu.memref_squeeze %dma_start3A_58 : memref<1x1x1x256xi32, #tpu.memory_space<hbm>> -> memref<256xi32, #tpu.memory_space<hbm>>
    %dma_start3A_60 = arith.constant 0 : i32
    %dma_start3A_61 = tpu.memref_slice %arg3[%select_n3A_30, %select_n3A, %dma_start3A_56, %dma_start3A_60] : memref<9x4x16x256xi32, #tpu.memory_space<hbm>> -> memref<1x1x1x256xi32, #tpu.memory_space<hbm>>
    %dma_start3A_62 = tpu.memref_squeeze %dma_start3A_61 : memref<1x1x1x256xi32, #tpu.memory_space<hbm>> -> memref<256xi32, #tpu.memory_space<hbm>>
    tpu.enqueue_dma source(%dma_start3A_62 : memref<256xi32, #tpu.memory_space<hbm>>) target(%arg11 : memref<256xi32, #tpu.memory_space<vmem>>) target_semaphore(%arg31 : memref<!tpu.dma_semaphore, #tpu.memory_space<semaphore_mem>>)
    %dma_start3A_63 = arith.constant 3 : i32
    %dma_start3A_64 = arith.constant 0 : i32
    %dma_start3A_65 = tpu.memref_slice %arg3[%select_n3A_30, %select_n3A, %dma_start3A_63, %dma_start3A_64] : memref<9x4x16x256xi32, #tpu.memory_space<hbm>> -> memref<1x1x1x256xi32, #tpu.memory_space<hbm>>
    %dma_start3A_66 = tpu.memref_squeeze %dma_start3A_65 : memref<1x1x1x256xi32, #tpu.memory_space<hbm>> -> memref<256xi32, #tpu.memory_space<hbm>>
    %dma_start3A_67 = arith.constant 0 : i32
    %dma_start3A_68 = tpu.memref_slice %arg3[%select_n3A_30, %select_n3A, %dma_start3A_63, %dma_start3A_67] : memref<9x4x16x256xi32, #tpu.memory_space<hbm>> -> memref<1x1x1x256xi32, #tpu.memory_space<hbm>>
    %dma_start3A_69 = tpu.memref_squeeze %dma_start3A_68 : memref<1x1x1x256xi32, #tpu.memory_space<hbm>> -> memref<256xi32, #tpu.memory_space<hbm>>
    tpu.enqueue_dma source(%dma_start3A_69 : memref<256xi32, #tpu.memory_space<hbm>>) target(%arg12 : memref<256xi32, #tpu.memory_space<vmem>>) target_semaphore(%arg31 : memref<!tpu.dma_semaphore, #tpu.memory_space<semaphore_mem>>)
    %dma_start3A_70 = arith.constant 4 : i32
    %dma_start3A_71 = arith.constant 0 : i32
    %dma_start3A_72 = tpu.memref_slice %arg3[%select_n3A_30, %select_n3A, %dma_start3A_70, %dma_start3A_71] : memref<9x4x16x256xi32, #tpu.memory_space<hbm>> -> memref<1x1x1x256xi32, #tpu.memory_space<hbm>>
    %dma_start3A_73 = tpu.memref_squeeze %dma_start3A_72 : memref<1x1x1x256xi32, #tpu.memory_space<hbm>> -> memref<256xi32, #tpu.memory_space<hbm>>
    %dma_start3A_74 = arith.constant 0 : i32
    %dma_start3A_75 = tpu.memref_slice %arg3[%select_n3A_30, %select_n3A, %dma_start3A_70, %dma_start3A_74] : memref<9x4x16x256xi32, #tpu.memory_space<hbm>> -> memref<1x1x1x256xi32, #tpu.memory_space<hbm>>
    %dma_start3A_76 = tpu.memref_squeeze %dma_start3A_75 : memref<1x1x1x256xi32, #tpu.memory_space<hbm>> -> memref<256xi32, #tpu.memory_space<hbm>>
    tpu.enqueue_dma source(%dma_start3A_76 : memref<256xi32, #tpu.memory_space<hbm>>) target(%arg13 : memref<256xi32, #tpu.memory_space<vmem>>) target_semaphore(%arg31 : memref<!tpu.dma_semaphore, #tpu.memory_space<semaphore_mem>>)
    %dma_start3A_77 = arith.constant 5 : i32
    %dma_start3A_78 = arith.constant 0 : i32
    %dma_start3A_79 = tpu.memref_slice %arg3[%select_n3A_30, %select_n3A, %dma_start3A_77, %dma_start3A_78] : memref<9x4x16x256xi32, #tpu.memory_space<hbm>> -> memref<1x1x1x256xi32, #tpu.memory_space<hbm>>
    %dma_start3A_80 = tpu.memref_squeeze %dma_start3A_79 : memref<1x1x1x256xi32, #tpu.memory_space<hbm>> -> memref<256xi32, #tpu.memory_space<hbm>>
    %dma_start3A_81 = arith.constant 0 : i32
    %dma_start3A_82 = tpu.memref_slice %arg3[%select_n3A_30, %select_n3A, %dma_start3A_77, %dma_start3A_81] : memref<9x4x16x256xi32, #tpu.memory_space<hbm>> -> memref<1x1x1x256xi32, #tpu.memory_space<hbm>>
    %dma_start3A_83 = tpu.memref_squeeze %dma_start3A_82 : memref<1x1x1x256xi32, #tpu.memory_space<hbm>> -> memref<256xi32, #tpu.memory_space<hbm>>
    tpu.enqueue_dma source(%dma_start3A_83 : memref<256xi32, #tpu.memory_space<hbm>>) target(%arg14 : memref<256xi32, #tpu.memory_space<vmem>>) target_semaphore(%arg31 : memref<!tpu.dma_semaphore, #tpu.memory_space<semaphore_mem>>)
    %dma_start3A_84 = arith.constant 6 : i32
    %dma_start3A_85 = arith.constant 0 : i32
    %dma_start3A_86 = tpu.memref_slice %arg3[%select_n3A_30, %select_n3A, %dma_start3A_84, %dma_start3A_85] : memref<9x4x16x256xi32, #tpu.memory_space<hbm>> -> memref<1x1x1x256xi32, #tpu.memory_space<hbm>>
    %dma_start3A_87 = tpu.memref_squeeze %dma_start3A_86 : memref<1x1x1x256xi32, #tpu.memory_space<hbm>> -> memref<256xi32, #tpu.memory_space<hbm>>
    %dma_start3A_88 = arith.constant 0 : i32
    %dma_start3A_89 = tpu.memref_slice %arg3[%select_n3A_30, %select_n3A, %dma_start3A_84, %dma_start3A_88] : memref<9x4x16x256xi32, #tpu.memory_space<hbm>> -> memref<1x1x1x256xi32, #tpu.memory_space<hbm>>
    %dma_start3A_90 = tpu.memref_squeeze %dma_start3A_89 : memref<1x1x1x256xi32, #tpu.memory_space<hbm>> -> memref<256xi32, #tpu.memory_space<hbm>>
    tpu.enqueue_dma source(%dma_start3A_90 : memref<256xi32, #tpu.memory_space<hbm>>) target(%arg15 : memref<256xi32, #tpu.memory_space<vmem>>) target_semaphore(%arg31 : memref<!tpu.dma_semaphore, #tpu.memory_space<semaphore_mem>>)
    %dma_start3A_91 = arith.constant 7 : i32
    %dma_start3A_92 = arith.constant 0 : i32
    %dma_start3A_93 = tpu.memref_slice %arg3[%select_n3A_30, %select_n3A, %dma_start3A_91, %dma_start3A_92] : memref<9x4x16x256xi32, #tpu.memory_space<hbm>> -> memref<1x1x1x256xi32, #tpu.memory_space<hbm>>
    %dma_start3A_94 = tpu.memref_squeeze %dma_start3A_93 : memref<1x1x1x256xi32, #tpu.memory_space<hbm>> -> memref<256xi32, #tpu.memory_space<hbm>>
    %dma_start3A_95 = arith.constant 0 : i32
    %dma_start3A_96 = tpu.memref_slice %arg3[%select_n3A_30, %select_n3A, %dma_start3A_91, %dma_start3A_95] : memref<9x4x16x256xi32, #tpu.memory_space<hbm>> -> memref<1x1x1x256xi32, #tpu.memory_space<hbm>>
    %dma_start3A_97 = tpu.memref_squeeze %dma_start3A_96 : memref<1x1x1x256xi32, #tpu.memory_space<hbm>> -> memref<256xi32, #tpu.memory_space<hbm>>
    tpu.enqueue_dma source(%dma_start3A_97 : memref<256xi32, #tpu.memory_space<hbm>>) target(%arg16 : memref<256xi32, #tpu.memory_space<vmem>>) target_semaphore(%arg31 : memref<!tpu.dma_semaphore, #tpu.memory_space<semaphore_mem>>)
    %dma_start3A_98 = arith.constant 8 : i32
    %dma_start3A_99 = arith.constant 0 : i32
    %dma_start3A_100 = tpu.memref_slice %arg3[%select_n3A_30, %select_n3A, %dma_start3A_98, %dma_start3A_99] : memref<9x4x16x256xi32, #tpu.memory_space<hbm>> -> memref<1x1x1x256xi32, #tpu.memory_space<hbm>>
    %dma_start3A_101 = tpu.memref_squeeze %dma_start3A_100 : memref<1x1x1x256xi32, #tpu.memory_space<hbm>> -> memref<256xi32, #tpu.memory_space<hbm>>
    %dma_start3A_102 = arith.constant 0 : i32
    %dma_start3A_103 = tpu.memref_slice %arg3[%select_n3A_30, %select_n3A, %dma_start3A_98, %dma_start3A_102] : memref<9x4x16x256xi32, #tpu.memory_space<hbm>> -> memref<1x1x1x256xi32, #tpu.memory_space<hbm>>
    %dma_start3A_104 = tpu.memref_squeeze %dma_start3A_103 : memref<1x1x1x256xi32, #tpu.memory_space<hbm>> -> memref<256xi32, #tpu.memory_space<hbm>>
    tpu.enqueue_dma source(%dma_start3A_104 : memref<256xi32, #tpu.memory_space<hbm>>) target(%arg17 : memref<256xi32, #tpu.memory_space<vmem>>) target_semaphore(%arg31 : memref<!tpu.dma_semaphore, #tpu.memory_space<semaphore_mem>>)
    %dma_start3A_105 = arith.constant 9 : i32
    %dma_start3A_106 = arith.constant 0 : i32
    %dma_start3A_107 = tpu.memref_slice %arg3[%select_n3A_30, %select_n3A, %dma_start3A_105, %dma_start3A_106] : memref<9x4x16x256xi32, #tpu.memory_space<hbm>> -> memref<1x1x1x256xi32, #tpu.memory_space<hbm>>
    %dma_start3A_108 = tpu.memref_squeeze %dma_start3A_107 : memref<1x1x1x256xi32, #tpu.memory_space<hbm>> -> memref<256xi32, #tpu.memory_space<hbm>>
    %dma_start3A_109 = arith.constant 0 : i32
    %dma_start3A_110 = tpu.memref_slice %arg3[%select_n3A_30, %select_n3A, %dma_start3A_105, %dma_start3A_109] : memref<9x4x16x256xi32, #tpu.memory_space<hbm>> -> memref<1x1x1x256xi32, #tpu.memory_space<hbm>>
    %dma_start3A_111 = tpu.memref_squeeze %dma_start3A_110 : memref<1x1x1x256xi32, #tpu.memory_space<hbm>> -> memref<256xi32, #tpu.memory_space<hbm>>
    tpu.enqueue_dma source(%dma_start3A_111 : memref<256xi32, #tpu.memory_space<hbm>>) target(%arg18 : memref<256xi32, #tpu.memory_space<vmem>>) target_semaphore(%arg31 : memref<!tpu.dma_semaphore, #tpu.memory_space<semaphore_mem>>)
    %dma_start3A_112 = arith.constant 10 : i32
    %dma_start3A_113 = arith.constant 0 : i32
    %dma_start3A_114 = tpu.memref_slice %arg3[%select_n3A_30, %select_n3A, %dma_start3A_112, %dma_start3A_113] : memref<9x4x16x256xi32, #tpu.memory_space<hbm>> -> memref<1x1x1x256xi32, #tpu.memory_space<hbm>>
    %dma_start3A_115 = tpu.memref_squeeze %dma_start3A_114 : memref<1x1x1x256xi32, #tpu.memory_space<hbm>> -> memref<256xi32, #tpu.memory_space<hbm>>
    %dma_start3A_116 = arith.constant 0 : i32
    %dma_start3A_117 = tpu.memref_slice %arg3[%select_n3A_30, %select_n3A, %dma_start3A_112, %dma_start3A_116] : memref<9x4x16x256xi32, #tpu.memory_space<hbm>> -> memref<1x1x1x256xi32, #tpu.memory_space<hbm>>
    %dma_start3A_118 = tpu.memref_squeeze %dma_start3A_117 : memref<1x1x1x256xi32, #tpu.memory_space<hbm>> -> memref<256xi32, #tpu.memory_space<hbm>>
    tpu.enqueue_dma source(%dma_start3A_118 : memref<256xi32, #tpu.memory_space<hbm>>) target(%arg19 : memref<256xi32, #tpu.memory_space<vmem>>) target_semaphore(%arg31 : memref<!tpu.dma_semaphore, #tpu.memory_space<semaphore_mem>>)
    %dma_start3A_119 = arith.constant 11 : i32
    %dma_start3A_120 = arith.constant 0 : i32
    %dma_start3A_121 = tpu.memref_slice %arg3[%select_n3A_30, %select_n3A, %dma_start3A_119, %dma_start3A_120] : memref<9x4x16x256xi32, #tpu.memory_space<hbm>> -> memref<1x1x1x256xi32, #tpu.memory_space<hbm>>
    %dma_start3A_122 = tpu.memref_squeeze %dma_start3A_121 : memref<1x1x1x256xi32, #tpu.memory_space<hbm>> -> memref<256xi32, #tpu.memory_space<hbm>>
    %dma_start3A_123 = arith.constant 0 : i32
    %dma_start3A_124 = tpu.memref_slice %arg3[%select_n3A_30, %select_n3A, %dma_start3A_119, %dma_start3A_123] : memref<9x4x16x256xi32, #tpu.memory_space<hbm>> -> memref<1x1x1x256xi32, #tpu.memory_space<hbm>>
    %dma_start3A_125 = tpu.memref_squeeze %dma_start3A_124 : memref<1x1x1x256xi32, #tpu.memory_space<hbm>> -> memref<256xi32, #tpu.memory_space<hbm>>
    tpu.enqueue_dma source(%dma_start3A_125 : memref<256xi32, #tpu.memory_space<hbm>>) target(%arg20 : memref<256xi32, #tpu.memory_space<vmem>>) target_semaphore(%arg31 : memref<!tpu.dma_semaphore, #tpu.memory_space<semaphore_mem>>)
    %dma_start3A_126 = arith.constant 12 : i32
    %dma_start3A_127 = arith.constant 0 : i32
    %dma_start3A_128 = tpu.memref_slice %arg3[%select_n3A_30, %select_n3A, %dma_start3A_126, %dma_start3A_127] : memref<9x4x16x256xi32, #tpu.memory_space<hbm>> -> memref<1x1x1x256xi32, #tpu.memory_space<hbm>>
    %dma_start3A_129 = tpu.memref_squeeze %dma_start3A_128 : memref<1x1x1x256xi32, #tpu.memory_space<hbm>> -> memref<256xi32, #tpu.memory_space<hbm>>
    %dma_start3A_130 = arith.constant 0 : i32
    %dma_start3A_131 = tpu.memref_slice %arg3[%select_n3A_30, %select_n3A, %dma_start3A_126, %dma_start3A_130] : memref<9x4x16x256xi32, #tpu.memory_space<hbm>> -> memref<1x1x1x256xi32, #tpu.memory_space<hbm>>
    %dma_start3A_132 = tpu.memref_squeeze %dma_start3A_131 : memref<1x1x1x256xi32, #tpu.memory_space<hbm>> -> memref<256xi32, #tpu.memory_space<hbm>>
    tpu.enqueue_dma source(%dma_start3A_132 : memref<256xi32, #tpu.memory_space<hbm>>) target(%arg21 : memref<256xi32, #tpu.memory_space<vmem>>) target_semaphore(%arg31 : memref<!tpu.dma_semaphore, #tpu.memory_space<semaphore_mem>>)
    %dma_start3A_133 = arith.constant 13 : i32
    %dma_start3A_134 = arith.constant 0 : i32
    %dma_start3A_135 = tpu.memref_slice %arg3[%select_n3A_30, %select_n3A, %dma_start3A_133, %dma_start3A_134] : memref<9x4x16x256xi32, #tpu.memory_space<hbm>> -> memref<1x1x1x256xi32, #tpu.memory_space<hbm>>
    %dma_start3A_136 = tpu.memref_squeeze %dma_start3A_135 : memref<1x1x1x256xi32, #tpu.memory_space<hbm>> -> memref<256xi32, #tpu.memory_space<hbm>>
    %dma_start3A_137 = arith.constant 0 : i32
    %dma_start3A_138 = tpu.memref_slice %arg3[%select_n3A_30, %select_n3A, %dma_start3A_133, %dma_start3A_137] : memref<9x4x16x256xi32, #tpu.memory_space<hbm>> -> memref<1x1x1x256xi32, #tpu.memory_space<hbm>>
    %dma_start3A_139 = tpu.memref_squeeze %dma_start3A_138 : memref<1x1x1x256xi32, #tpu.memory_space<hbm>> -> memref<256xi32, #tpu.memory_space<hbm>>
    tpu.enqueue_dma source(%dma_start3A_139 : memref<256xi32, #tpu.memory_space<hbm>>) target(%arg22 : memref<256xi32, #tpu.memory_space<vmem>>) target_semaphore(%arg31 : memref<!tpu.dma_semaphore, #tpu.memory_space<semaphore_mem>>)
    %dma_start3A_140 = arith.constant 14 : i32
    %dma_start3A_141 = arith.constant 0 : i32
    %dma_start3A_142 = tpu.memref_slice %arg3[%select_n3A_30, %select_n3A, %dma_start3A_140, %dma_start3A_141] : memref<9x4x16x256xi32, #tpu.memory_space<hbm>> -> memref<1x1x1x256xi32, #tpu.memory_space<hbm>>
    %dma_start3A_143 = tpu.memref_squeeze %dma_start3A_142 : memref<1x1x1x256xi32, #tpu.memory_space<hbm>> -> memref<256xi32, #tpu.memory_space<hbm>>
    %dma_start3A_144 = arith.constant 0 : i32
    %dma_start3A_145 = tpu.memref_slice %arg3[%select_n3A_30, %select_n3A, %dma_start3A_140, %dma_start3A_144] : memref<9x4x16x256xi32, #tpu.memory_space<hbm>> -> memref<1x1x1x256xi32, #tpu.memory_space<hbm>>
    %dma_start3A_146 = tpu.memref_squeeze %dma_start3A_145 : memref<1x1x1x256xi32, #tpu.memory_space<hbm>> -> memref<256xi32, #tpu.memory_space<hbm>>
    tpu.enqueue_dma source(%dma_start3A_146 : memref<256xi32, #tpu.memory_space<hbm>>) target(%arg23 : memref<256xi32, #tpu.memory_space<vmem>>) target_semaphore(%arg31 : memref<!tpu.dma_semaphore, #tpu.memory_space<semaphore_mem>>)
    %dma_start3A_147 = arith.constant 15 : i32
    %dma_start3A_148 = arith.constant 0 : i32
    %dma_start3A_149 = tpu.memref_slice %arg3[%select_n3A_30, %select_n3A, %dma_start3A_147, %dma_start3A_148] : memref<9x4x16x256xi32, #tpu.memory_space<hbm>> -> memref<1x1x1x256xi32, #tpu.memory_space<hbm>>
    %dma_start3A_150 = tpu.memref_squeeze %dma_start3A_149 : memref<1x1x1x256xi32, #tpu.memory_space<hbm>> -> memref<256xi32, #tpu.memory_space<hbm>>
    %dma_start3A_151 = arith.constant 0 : i32
    %dma_start3A_152 = tpu.memref_slice %arg3[%select_n3A_30, %select_n3A, %dma_start3A_147, %dma_start3A_151] : memref<9x4x16x256xi32, #tpu.memory_space<hbm>> -> memref<1x1x1x256xi32, #tpu.memory_space<hbm>>
    %dma_start3A_153 = tpu.memref_squeeze %dma_start3A_152 : memref<1x1x1x256xi32, #tpu.memory_space<hbm>> -> memref<256xi32, #tpu.memory_space<hbm>>
    tpu.enqueue_dma source(%dma_start3A_153 : memref<256xi32, #tpu.memory_space<hbm>>) target(%arg24 : memref<256xi32, #tpu.memory_space<vmem>>) target_semaphore(%arg31 : memref<!tpu.dma_semaphore, #tpu.memory_space<semaphore_mem>>)
    %lt3A_154 = arith.constant 8 : i32
    %lt3A_155 = arith.cmpi slt, %arg1, %lt3A_154 : i32
    %convert_element_type3A = arith.extui %lt3A_155 : i1 to i32
    %cond3A = arith.constant 0 : i32
    %cond3A_156 = arith.cmpi ne, %convert_element_type3A, %cond3A : i32
    scf.if %cond3A_156 {
      "tpu.region"() ({
        %run_scoped3A_485 = tpu.sem_alloc : memref<!tpu.dma_semaphore, #tpu.memory_space<semaphore_mem>>
        %dma_start3A_486 = arith.constant 0 : i32
        %dma_start3A_487 = tpu.memref_slice %arg8[%multiple_of3A_40, %dma_start3A_486] : memref<2304x128xf32, #tpu.memory_space<vmem_shared>> -> memref<256x128xf32, #tpu.memory_space<vmem_shared>>
        tpu.enqueue_dma source(%arg5 : memref<256x128xf32, #tpu.memory_space<hbm>>) target(%dma_start3A_487 : memref<256x128xf32, #tpu.memory_space<vmem_shared>>) target_semaphore(%run_scoped3A_485 : memref<!tpu.dma_semaphore, #tpu.memory_space<semaphore_mem>>)
        %dma_wait3A_488 = arith.constant 0 : i32
        %dma_wait3A_489 = tpu.memref_slice %arg8[%multiple_of3A_40, %dma_wait3A_488] : memref<2304x128xf32, #tpu.memory_space<vmem_shared>> -> memref<256x128xf32, #tpu.memory_space<vmem_shared>>
        tpu.wait_dma2 semaphore(%run_scoped3A_485 : memref<!tpu.dma_semaphore, #tpu.memory_space<semaphore_mem>>) src(%arg5 : memref<256x128xf32, #tpu.memory_space<hbm>>) dst(%dma_wait3A_489 : memref<256x128xf32, #tpu.memory_space<vmem_shared>>)
        tpu.yield
      }) : () -> ()
    } else {
    }
    %eq3A_157 = arith.constant 0 : i32
    %eq3A_158 = arith.cmpi eq, %arg1, %eq3A_157 : i32
    %convert_element_type3A_159 = arith.extui %eq3A_158 : i1 to i32
    %cond3A_160 = arith.constant 0 : i32
    %cond3A_161 = arith.cmpi ne, %convert_element_type3A_159, %cond3A_160 : i32
    scf.if %cond3A_161 {
      "tpu.region"() ({
        %run_scoped3A_485 = tpu.sem_alloc : memref<!tpu.dma_semaphore, #tpu.memory_space<semaphore_mem>>
        %dma_start3A_486 = arith.constant 2048 : i32
        %dma_start3A_487 = arith.constant 0 : i32
        %dma_start3A_488 = tpu.memref_slice %arg8[%dma_start3A_486, %dma_start3A_487] : memref<2304x128xf32, #tpu.memory_space<vmem_shared>> -> memref<256x128xf32, #tpu.memory_space<vmem_shared>>
        tpu.enqueue_dma source(%arg5 : memref<256x128xf32, #tpu.memory_space<hbm>>) target(%dma_start3A_488 : memref<256x128xf32, #tpu.memory_space<vmem_shared>>) target_semaphore(%run_scoped3A_485 : memref<!tpu.dma_semaphore, #tpu.memory_space<semaphore_mem>>)
        %dma_wait3A_489 = arith.constant 2048 : i32
        %dma_wait3A_490 = arith.constant 0 : i32
        %dma_wait3A_491 = tpu.memref_slice %arg8[%dma_wait3A_489, %dma_wait3A_490] : memref<2304x128xf32, #tpu.memory_space<vmem_shared>> -> memref<256x128xf32, #tpu.memory_space<vmem_shared>>
        tpu.wait_dma2 semaphore(%run_scoped3A_485 : memref<!tpu.dma_semaphore, #tpu.memory_space<semaphore_mem>>) src(%arg5 : memref<256x128xf32, #tpu.memory_space<hbm>>) dst(%dma_wait3A_491 : memref<256x128xf32, #tpu.memory_space<vmem_shared>>)
        tpu.yield
      }) : () -> ()
    } else {
    }
    %dma_wait3A = arith.constant 0 : i32
    %dma_wait3A_162 = arith.constant 0 : i32
    %dma_wait3A_163 = tpu.memref_slice %arg3[%select_n3A_30, %select_n3A, %dma_wait3A, %dma_wait3A_162] : memref<9x4x16x256xi32, #tpu.memory_space<hbm>> -> memref<1x1x1x256xi32, #tpu.memory_space<hbm>>
    %dma_wait3A_164 = tpu.memref_squeeze %dma_wait3A_163 : memref<1x1x1x256xi32, #tpu.memory_space<hbm>> -> memref<256xi32, #tpu.memory_space<hbm>>
    %dma_wait3A_165 = arith.constant 0 : i32
    %dma_wait3A_166 = tpu.memref_slice %arg3[%select_n3A_30, %select_n3A, %dma_wait3A, %dma_wait3A_165] : memref<9x4x16x256xi32, #tpu.memory_space<hbm>> -> memref<1x1x1x256xi32, #tpu.memory_space<hbm>>
    %dma_wait3A_167 = tpu.memref_squeeze %dma_wait3A_166 : memref<1x1x1x256xi32, #tpu.memory_space<hbm>> -> memref<256xi32, #tpu.memory_space<hbm>>
    tpu.wait_dma2 semaphore(%arg31 : memref<!tpu.dma_semaphore, #tpu.memory_space<semaphore_mem>>) src(%dma_wait3A_167 : memref<256xi32, #tpu.memory_space<hbm>>) dst(%arg9 : memref<256xi32, #tpu.memory_space<vmem>>)
    %dma_wait3A_168 = arith.constant 1 : i32
    %dma_wait3A_169 = arith.constant 0 : i32
    %dma_wait3A_170 = tpu.memref_slice %arg3[%select_n3A_30, %select_n3A, %dma_wait3A_168, %dma_wait3A_169] : memref<9x4x16x256xi32, #tpu.memory_space<hbm>> -> memref<1x1x1x256xi32, #tpu.memory_space<hbm>>
    %dma_wait3A_171 = tpu.memref_squeeze %dma_wait3A_170 : memref<1x1x1x256xi32, #tpu.memory_space<hbm>> -> memref<256xi32, #tpu.memory_space<hbm>>
    %dma_wait3A_172 = arith.constant 0 : i32
    %dma_wait3A_173 = tpu.memref_slice %arg3[%select_n3A_30, %select_n3A, %dma_wait3A_168, %dma_wait3A_172] : memref<9x4x16x256xi32, #tpu.memory_space<hbm>> -> memref<1x1x1x256xi32, #tpu.memory_space<hbm>>
    %dma_wait3A_174 = tpu.memref_squeeze %dma_wait3A_173 : memref<1x1x1x256xi32, #tpu.memory_space<hbm>> -> memref<256xi32, #tpu.memory_space<hbm>>
    tpu.wait_dma2 semaphore(%arg31 : memref<!tpu.dma_semaphore, #tpu.memory_space<semaphore_mem>>) src(%dma_wait3A_174 : memref<256xi32, #tpu.memory_space<hbm>>) dst(%arg10 : memref<256xi32, #tpu.memory_space<vmem>>)
    %dma_wait3A_175 = arith.constant 2 : i32
    %dma_wait3A_176 = arith.constant 0 : i32
    %dma_wait3A_177 = tpu.memref_slice %arg3[%select_n3A_30, %select_n3A, %dma_wait3A_175, %dma_wait3A_176] : memref<9x4x16x256xi32, #tpu.memory_space<hbm>> -> memref<1x1x1x256xi32, #tpu.memory_space<hbm>>
    %dma_wait3A_178 = tpu.memref_squeeze %dma_wait3A_177 : memref<1x1x1x256xi32, #tpu.memory_space<hbm>> -> memref<256xi32, #tpu.memory_space<hbm>>
    %dma_wait3A_179 = arith.constant 0 : i32
    %dma_wait3A_180 = tpu.memref_slice %arg3[%select_n3A_30, %select_n3A, %dma_wait3A_175, %dma_wait3A_179] : memref<9x4x16x256xi32, #tpu.memory_space<hbm>> -> memref<1x1x1x256xi32, #tpu.memory_space<hbm>>
    %dma_wait3A_181 = tpu.memref_squeeze %dma_wait3A_180 : memref<1x1x1x256xi32, #tpu.memory_space<hbm>> -> memref<256xi32, #tpu.memory_space<hbm>>
    tpu.wait_dma2 semaphore(%arg31 : memref<!tpu.dma_semaphore, #tpu.memory_space<semaphore_mem>>) src(%dma_wait3A_181 : memref<256xi32, #tpu.memory_space<hbm>>) dst(%arg11 : memref<256xi32, #tpu.memory_space<vmem>>)
    %dma_wait3A_182 = arith.constant 3 : i32
    %dma_wait3A_183 = arith.constant 0 : i32
    %dma_wait3A_184 = tpu.memref_slice %arg3[%select_n3A_30, %select_n3A, %dma_wait3A_182, %dma_wait3A_183] : memref<9x4x16x256xi32, #tpu.memory_space<hbm>> -> memref<1x1x1x256xi32, #tpu.memory_space<hbm>>
    %dma_wait3A_185 = tpu.memref_squeeze %dma_wait3A_184 : memref<1x1x1x256xi32, #tpu.memory_space<hbm>> -> memref<256xi32, #tpu.memory_space<hbm>>
    %dma_wait3A_186 = arith.constant 0 : i32
    %dma_wait3A_187 = tpu.memref_slice %arg3[%select_n3A_30, %select_n3A, %dma_wait3A_182, %dma_wait3A_186] : memref<9x4x16x256xi32, #tpu.memory_space<hbm>> -> memref<1x1x1x256xi32, #tpu.memory_space<hbm>>
    %dma_wait3A_188 = tpu.memref_squeeze %dma_wait3A_187 : memref<1x1x1x256xi32, #tpu.memory_space<hbm>> -> memref<256xi32, #tpu.memory_space<hbm>>
    tpu.wait_dma2 semaphore(%arg31 : memref<!tpu.dma_semaphore, #tpu.memory_space<semaphore_mem>>) src(%dma_wait3A_188 : memref<256xi32, #tpu.memory_space<hbm>>) dst(%arg12 : memref<256xi32, #tpu.memory_space<vmem>>)
    %dma_wait3A_189 = arith.constant 4 : i32
    %dma_wait3A_190 = arith.constant 0 : i32
    %dma_wait3A_191 = tpu.memref_slice %arg3[%select_n3A_30, %select_n3A, %dma_wait3A_189, %dma_wait3A_190] : memref<9x4x16x256xi32, #tpu.memory_space<hbm>> -> memref<1x1x1x256xi32, #tpu.memory_space<hbm>>
    %dma_wait3A_192 = tpu.memref_squeeze %dma_wait3A_191 : memref<1x1x1x256xi32, #tpu.memory_space<hbm>> -> memref<256xi32, #tpu.memory_space<hbm>>
    %dma_wait3A_193 = arith.constant 0 : i32
    %dma_wait3A_194 = tpu.memref_slice %arg3[%select_n3A_30, %select_n3A, %dma_wait3A_189, %dma_wait3A_193] : memref<9x4x16x256xi32, #tpu.memory_space<hbm>> -> memref<1x1x1x256xi32, #tpu.memory_space<hbm>>
    %dma_wait3A_195 = tpu.memref_squeeze %dma_wait3A_194 : memref<1x1x1x256xi32, #tpu.memory_space<hbm>> -> memref<256xi32, #tpu.memory_space<hbm>>
    tpu.wait_dma2 semaphore(%arg31 : memref<!tpu.dma_semaphore, #tpu.memory_space<semaphore_mem>>) src(%dma_wait3A_195 : memref<256xi32, #tpu.memory_space<hbm>>) dst(%arg13 : memref<256xi32, #tpu.memory_space<vmem>>)
    %dma_wait3A_196 = arith.constant 5 : i32
    %dma_wait3A_197 = arith.constant 0 : i32
    %dma_wait3A_198 = tpu.memref_slice %arg3[%select_n3A_30, %select_n3A, %dma_wait3A_196, %dma_wait3A_197] : memref<9x4x16x256xi32, #tpu.memory_space<hbm>> -> memref<1x1x1x256xi32, #tpu.memory_space<hbm>>
    %dma_wait3A_199 = tpu.memref_squeeze %dma_wait3A_198 : memref<1x1x1x256xi32, #tpu.memory_space<hbm>> -> memref<256xi32, #tpu.memory_space<hbm>>
    %dma_wait3A_200 = arith.constant 0 : i32
    %dma_wait3A_201 = tpu.memref_slice %arg3[%select_n3A_30, %select_n3A, %dma_wait3A_196, %dma_wait3A_200] : memref<9x4x16x256xi32, #tpu.memory_space<hbm>> -> memref<1x1x1x256xi32, #tpu.memory_space<hbm>>
    %dma_wait3A_202 = tpu.memref_squeeze %dma_wait3A_201 : memref<1x1x1x256xi32, #tpu.memory_space<hbm>> -> memref<256xi32, #tpu.memory_space<hbm>>
    tpu.wait_dma2 semaphore(%arg31 : memref<!tpu.dma_semaphore, #tpu.memory_space<semaphore_mem>>) src(%dma_wait3A_202 : memref<256xi32, #tpu.memory_space<hbm>>) dst(%arg14 : memref<256xi32, #tpu.memory_space<vmem>>)
    %dma_wait3A_203 = arith.constant 6 : i32
    %dma_wait3A_204 = arith.constant 0 : i32
    %dma_wait3A_205 = tpu.memref_slice %arg3[%select_n3A_30, %select_n3A, %dma_wait3A_203, %dma_wait3A_204] : memref<9x4x16x256xi32, #tpu.memory_space<hbm>> -> memref<1x1x1x256xi32, #tpu.memory_space<hbm>>
    %dma_wait3A_206 = tpu.memref_squeeze %dma_wait3A_205 : memref<1x1x1x256xi32, #tpu.memory_space<hbm>> -> memref<256xi32, #tpu.memory_space<hbm>>
    %dma_wait3A_207 = arith.constant 0 : i32
    %dma_wait3A_208 = tpu.memref_slice %arg3[%select_n3A_30, %select_n3A, %dma_wait3A_203, %dma_wait3A_207] : memref<9x4x16x256xi32, #tpu.memory_space<hbm>> -> memref<1x1x1x256xi32, #tpu.memory_space<hbm>>
    %dma_wait3A_209 = tpu.memref_squeeze %dma_wait3A_208 : memref<1x1x1x256xi32, #tpu.memory_space<hbm>> -> memref<256xi32, #tpu.memory_space<hbm>>
    tpu.wait_dma2 semaphore(%arg31 : memref<!tpu.dma_semaphore, #tpu.memory_space<semaphore_mem>>) src(%dma_wait3A_209 : memref<256xi32, #tpu.memory_space<hbm>>) dst(%arg15 : memref<256xi32, #tpu.memory_space<vmem>>)
    %dma_wait3A_210 = arith.constant 7 : i32
    %dma_wait3A_211 = arith.constant 0 : i32
    %dma_wait3A_212 = tpu.memref_slice %arg3[%select_n3A_30, %select_n3A, %dma_wait3A_210, %dma_wait3A_211] : memref<9x4x16x256xi32, #tpu.memory_space<hbm>> -> memref<1x1x1x256xi32, #tpu.memory_space<hbm>>
    %dma_wait3A_213 = tpu.memref_squeeze %dma_wait3A_212 : memref<1x1x1x256xi32, #tpu.memory_space<hbm>> -> memref<256xi32, #tpu.memory_space<hbm>>
    %dma_wait3A_214 = arith.constant 0 : i32
    %dma_wait3A_215 = tpu.memref_slice %arg3[%select_n3A_30, %select_n3A, %dma_wait3A_210, %dma_wait3A_214] : memref<9x4x16x256xi32, #tpu.memory_space<hbm>> -> memref<1x1x1x256xi32, #tpu.memory_space<hbm>>
    %dma_wait3A_216 = tpu.memref_squeeze %dma_wait3A_215 : memref<1x1x1x256xi32, #tpu.memory_space<hbm>> -> memref<256xi32, #tpu.memory_space<hbm>>
    tpu.wait_dma2 semaphore(%arg31 : memref<!tpu.dma_semaphore, #tpu.memory_space<semaphore_mem>>) src(%dma_wait3A_216 : memref<256xi32, #tpu.memory_space<hbm>>) dst(%arg16 : memref<256xi32, #tpu.memory_space<vmem>>)
    %dma_wait3A_217 = arith.constant 8 : i32
    %dma_wait3A_218 = arith.constant 0 : i32
    %dma_wait3A_219 = tpu.memref_slice %arg3[%select_n3A_30, %select_n3A, %dma_wait3A_217, %dma_wait3A_218] : memref<9x4x16x256xi32, #tpu.memory_space<hbm>> -> memref<1x1x1x256xi32, #tpu.memory_space<hbm>>
    %dma_wait3A_220 = tpu.memref_squeeze %dma_wait3A_219 : memref<1x1x1x256xi32, #tpu.memory_space<hbm>> -> memref<256xi32, #tpu.memory_space<hbm>>
    %dma_wait3A_221 = arith.constant 0 : i32
    %dma_wait3A_222 = tpu.memref_slice %arg3[%select_n3A_30, %select_n3A, %dma_wait3A_217, %dma_wait3A_221] : memref<9x4x16x256xi32, #tpu.memory_space<hbm>> -> memref<1x1x1x256xi32, #tpu.memory_space<hbm>>
    %dma_wait3A_223 = tpu.memref_squeeze %dma_wait3A_222 : memref<1x1x1x256xi32, #tpu.memory_space<hbm>> -> memref<256xi32, #tpu.memory_space<hbm>>
    tpu.wait_dma2 semaphore(%arg31 : memref<!tpu.dma_semaphore, #tpu.memory_space<semaphore_mem>>) src(%dma_wait3A_223 : memref<256xi32, #tpu.memory_space<hbm>>) dst(%arg17 : memref<256xi32, #tpu.memory_space<vmem>>)
    %dma_wait3A_224 = arith.constant 9 : i32
    %dma_wait3A_225 = arith.constant 0 : i32
    %dma_wait3A_226 = tpu.memref_slice %arg3[%select_n3A_30, %select_n3A, %dma_wait3A_224, %dma_wait3A_225] : memref<9x4x16x256xi32, #tpu.memory_space<hbm>> -> memref<1x1x1x256xi32, #tpu.memory_space<hbm>>
    %dma_wait3A_227 = tpu.memref_squeeze %dma_wait3A_226 : memref<1x1x1x256xi32, #tpu.memory_space<hbm>> -> memref<256xi32, #tpu.memory_space<hbm>>
    %dma_wait3A_228 = arith.constant 0 : i32
    %dma_wait3A_229 = tpu.memref_slice %arg3[%select_n3A_30, %select_n3A, %dma_wait3A_224, %dma_wait3A_228] : memref<9x4x16x256xi32, #tpu.memory_space<hbm>> -> memref<1x1x1x256xi32, #tpu.memory_space<hbm>>
    %dma_wait3A_230 = tpu.memref_squeeze %dma_wait3A_229 : memref<1x1x1x256xi32, #tpu.memory_space<hbm>> -> memref<256xi32, #tpu.memory_space<hbm>>
    tpu.wait_dma2 semaphore(%arg31 : memref<!tpu.dma_semaphore, #tpu.memory_space<semaphore_mem>>) src(%dma_wait3A_230 : memref<256xi32, #tpu.memory_space<hbm>>) dst(%arg18 : memref<256xi32, #tpu.memory_space<vmem>>)
    %dma_wait3A_231 = arith.constant 10 : i32
    %dma_wait3A_232 = arith.constant 0 : i32
    %dma_wait3A_233 = tpu.memref_slice %arg3[%select_n3A_30, %select_n3A, %dma_wait3A_231, %dma_wait3A_232] : memref<9x4x16x256xi32, #tpu.memory_space<hbm>> -> memref<1x1x1x256xi32, #tpu.memory_space<hbm>>
    %dma_wait3A_234 = tpu.memref_squeeze %dma_wait3A_233 : memref<1x1x1x256xi32, #tpu.memory_space<hbm>> -> memref<256xi32, #tpu.memory_space<hbm>>
    %dma_wait3A_235 = arith.constant 0 : i32
    %dma_wait3A_236 = tpu.memref_slice %arg3[%select_n3A_30, %select_n3A, %dma_wait3A_231, %dma_wait3A_235] : memref<9x4x16x256xi32, #tpu.memory_space<hbm>> -> memref<1x1x1x256xi32, #tpu.memory_space<hbm>>
    %dma_wait3A_237 = tpu.memref_squeeze %dma_wait3A_236 : memref<1x1x1x256xi32, #tpu.memory_space<hbm>> -> memref<256xi32, #tpu.memory_space<hbm>>
    tpu.wait_dma2 semaphore(%arg31 : memref<!tpu.dma_semaphore, #tpu.memory_space<semaphore_mem>>) src(%dma_wait3A_237 : memref<256xi32, #tpu.memory_space<hbm>>) dst(%arg19 : memref<256xi32, #tpu.memory_space<vmem>>)
    %dma_wait3A_238 = arith.constant 11 : i32
    %dma_wait3A_239 = arith.constant 0 : i32
    %dma_wait3A_240 = tpu.memref_slice %arg3[%select_n3A_30, %select_n3A, %dma_wait3A_238, %dma_wait3A_239] : memref<9x4x16x256xi32, #tpu.memory_space<hbm>> -> memref<1x1x1x256xi32, #tpu.memory_space<hbm>>
    %dma_wait3A_241 = tpu.memref_squeeze %dma_wait3A_240 : memref<1x1x1x256xi32, #tpu.memory_space<hbm>> -> memref<256xi32, #tpu.memory_space<hbm>>
    %dma_wait3A_242 = arith.constant 0 : i32
    %dma_wait3A_243 = tpu.memref_slice %arg3[%select_n3A_30, %select_n3A, %dma_wait3A_238, %dma_wait3A_242] : memref<9x4x16x256xi32, #tpu.memory_space<hbm>> -> memref<1x1x1x256xi32, #tpu.memory_space<hbm>>
    %dma_wait3A_244 = tpu.memref_squeeze %dma_wait3A_243 : memref<1x1x1x256xi32, #tpu.memory_space<hbm>> -> memref<256xi32, #tpu.memory_space<hbm>>
    tpu.wait_dma2 semaphore(%arg31 : memref<!tpu.dma_semaphore, #tpu.memory_space<semaphore_mem>>) src(%dma_wait3A_244 : memref<256xi32, #tpu.memory_space<hbm>>) dst(%arg20 : memref<256xi32, #tpu.memory_space<vmem>>)
    %dma_wait3A_245 = arith.constant 12 : i32
    %dma_wait3A_246 = arith.constant 0 : i32
    %dma_wait3A_247 = tpu.memref_slice %arg3[%select_n3A_30, %select_n3A, %dma_wait3A_245, %dma_wait3A_246] : memref<9x4x16x256xi32, #tpu.memory_space<hbm>> -> memref<1x1x1x256xi32, #tpu.memory_space<hbm>>
    %dma_wait3A_248 = tpu.memref_squeeze %dma_wait3A_247 : memref<1x1x1x256xi32, #tpu.memory_space<hbm>> -> memref<256xi32, #tpu.memory_space<hbm>>
    %dma_wait3A_249 = arith.constant 0 : i32
    %dma_wait3A_250 = tpu.memref_slice %arg3[%select_n3A_30, %select_n3A, %dma_wait3A_245, %dma_wait3A_249] : memref<9x4x16x256xi32, #tpu.memory_space<hbm>> -> memref<1x1x1x256xi32, #tpu.memory_space<hbm>>
    %dma_wait3A_251 = tpu.memref_squeeze %dma_wait3A_250 : memref<1x1x1x256xi32, #tpu.memory_space<hbm>> -> memref<256xi32, #tpu.memory_space<hbm>>
    tpu.wait_dma2 semaphore(%arg31 : memref<!tpu.dma_semaphore, #tpu.memory_space<semaphore_mem>>) src(%dma_wait3A_251 : memref<256xi32, #tpu.memory_space<hbm>>) dst(%arg21 : memref<256xi32, #tpu.memory_space<vmem>>)
    %dma_wait3A_252 = arith.constant 13 : i32
    %dma_wait3A_253 = arith.constant 0 : i32
    %dma_wait3A_254 = tpu.memref_slice %arg3[%select_n3A_30, %select_n3A, %dma_wait3A_252, %dma_wait3A_253] : memref<9x4x16x256xi32, #tpu.memory_space<hbm>> -> memref<1x1x1x256xi32, #tpu.memory_space<hbm>>
    %dma_wait3A_255 = tpu.memref_squeeze %dma_wait3A_254 : memref<1x1x1x256xi32, #tpu.memory_space<hbm>> -> memref<256xi32, #tpu.memory_space<hbm>>
    %dma_wait3A_256 = arith.constant 0 : i32
    %dma_wait3A_257 = tpu.memref_slice %arg3[%select_n3A_30, %select_n3A, %dma_wait3A_252, %dma_wait3A_256] : memref<9x4x16x256xi32, #tpu.memory_space<hbm>> -> memref<1x1x1x256xi32, #tpu.memory_space<hbm>>
    %dma_wait3A_258 = tpu.memref_squeeze %dma_wait3A_257 : memref<1x1x1x256xi32, #tpu.memory_space<hbm>> -> memref<256xi32, #tpu.memory_space<hbm>>
    tpu.wait_dma2 semaphore(%arg31 : memref<!tpu.dma_semaphore, #tpu.memory_space<semaphore_mem>>) src(%dma_wait3A_258 : memref<256xi32, #tpu.memory_space<hbm>>) dst(%arg22 : memref<256xi32, #tpu.memory_space<vmem>>)
    %dma_wait3A_259 = arith.constant 14 : i32
    %dma_wait3A_260 = arith.constant 0 : i32
    %dma_wait3A_261 = tpu.memref_slice %arg3[%select_n3A_30, %select_n3A, %dma_wait3A_259, %dma_wait3A_260] : memref<9x4x16x256xi32, #tpu.memory_space<hbm>> -> memref<1x1x1x256xi32, #tpu.memory_space<hbm>>
    %dma_wait3A_262 = tpu.memref_squeeze %dma_wait3A_261 : memref<1x1x1x256xi32, #tpu.memory_space<hbm>> -> memref<256xi32, #tpu.memory_space<hbm>>
    %dma_wait3A_263 = arith.constant 0 : i32
    %dma_wait3A_264 = tpu.memref_slice %arg3[%select_n3A_30, %select_n3A, %dma_wait3A_259, %dma_wait3A_263] : memref<9x4x16x256xi32, #tpu.memory_space<hbm>> -> memref<1x1x1x256xi32, #tpu.memory_space<hbm>>
    %dma_wait3A_265 = tpu.memref_squeeze %dma_wait3A_264 : memref<1x1x1x256xi32, #tpu.memory_space<hbm>> -> memref<256xi32, #tpu.memory_space<hbm>>
    tpu.wait_dma2 semaphore(%arg31 : memref<!tpu.dma_semaphore, #tpu.memory_space<semaphore_mem>>) src(%dma_wait3A_265 : memref<256xi32, #tpu.memory_space<hbm>>) dst(%arg23 : memref<256xi32, #tpu.memory_space<vmem>>)
    %dma_wait3A_266 = arith.constant 15 : i32
    %dma_wait3A_267 = arith.constant 0 : i32
    %dma_wait3A_268 = tpu.memref_slice %arg3[%select_n3A_30, %select_n3A, %dma_wait3A_266, %dma_wait3A_267] : memref<9x4x16x256xi32, #tpu.memory_space<hbm>> -> memref<1x1x1x256xi32, #tpu.memory_space<hbm>>
    %dma_wait3A_269 = tpu.memref_squeeze %dma_wait3A_268 : memref<1x1x1x256xi32, #tpu.memory_space<hbm>> -> memref<256xi32, #tpu.memory_space<hbm>>
    %dma_wait3A_270 = arith.constant 0 : i32
    %dma_wait3A_271 = tpu.memref_slice %arg3[%select_n3A_30, %select_n3A, %dma_wait3A_266, %dma_wait3A_270] : memref<9x4x16x256xi32, #tpu.memory_space<hbm>> -> memref<1x1x1x256xi32, #tpu.memory_space<hbm>>
    %dma_wait3A_272 = tpu.memref_squeeze %dma_wait3A_271 : memref<1x1x1x256xi32, #tpu.memory_space<hbm>> -> memref<256xi32, #tpu.memory_space<hbm>>
    tpu.wait_dma2 semaphore(%arg31 : memref<!tpu.dma_semaphore, #tpu.memory_space<semaphore_mem>>) src(%dma_wait3A_272 : memref<256xi32, #tpu.memory_space<hbm>>) dst(%arg24 : memref<256xi32, #tpu.memory_space<vmem>>)
    %barrier3A = arith.constant 0 : index
    tpu.barrier barrier_id(%barrier3A)
    %add3A_273 = arith.constant 0 : i32
    %add3A_274 = arith.addi %multiple_of3A, %add3A_273 : i32
    %dma_start3A_275 = tpu.memref_slice %arg2[%add3A_274, %multiple_of3A_35] : memref<16384x1024xf32, #tpu.memory_space<hbm>> -> memref<256x128xf32, #tpu.memory_space<hbm>>
    %dma_start3A_276 = tpu.memref_slice %arg2[%add3A_274, %multiple_of3A_35] : memref<16384x1024xf32, #tpu.memory_space<hbm>> -> memref<256x128xf32, #tpu.memory_space<hbm>>
    tpu.enqueue_dma source(%dma_start3A_276 : memref<256x128xf32, #tpu.memory_space<hbm>>) target(%arg25 : memref<256x128xf32, #tpu.memory_space<vmem>>) target_semaphore(%arg27 : memref<!tpu.dma_semaphore, #tpu.memory_space<semaphore_mem>>)
    %dma_wait3A_277 = tpu.memref_slice %arg2[%add3A_274, %multiple_of3A_35] : memref<16384x1024xf32, #tpu.memory_space<hbm>> -> memref<256x128xf32, #tpu.memory_space<hbm>>
    %dma_wait3A_278 = tpu.memref_slice %arg2[%add3A_274, %multiple_of3A_35] : memref<16384x1024xf32, #tpu.memory_space<hbm>> -> memref<256x128xf32, #tpu.memory_space<hbm>>
    tpu.wait_dma2 semaphore(%arg27 : memref<!tpu.dma_semaphore, #tpu.memory_space<semaphore_mem>>) src(%dma_wait3A_278 : memref<256x128xf32, #tpu.memory_space<hbm>>) dst(%arg25 : memref<256x128xf32, #tpu.memory_space<vmem>>)
    %add3A_279 = arith.constant 256 : i32
    %add3A_280 = arith.addi %multiple_of3A, %add3A_279 : i32
    %dma_start3A_281 = tpu.memref_slice %arg2[%add3A_280, %multiple_of3A_35] : memref<16384x1024xf32, #tpu.memory_space<hbm>> -> memref<256x128xf32, #tpu.memory_space<hbm>>
    %dma_start3A_282 = tpu.memref_slice %arg2[%add3A_280, %multiple_of3A_35] : memref<16384x1024xf32, #tpu.memory_space<hbm>> -> memref<256x128xf32, #tpu.memory_space<hbm>>
    tpu.enqueue_dma source(%dma_start3A_282 : memref<256x128xf32, #tpu.memory_space<hbm>>) target(%arg26 : memref<256x128xf32, #tpu.memory_space<vmem>>) target_semaphore(%arg28 : memref<!tpu.dma_semaphore, #tpu.memory_space<semaphore_mem>>)
    %dma_start3A_283 = arith.constant 0 : i32
    %dma_start3A_284 = arith.constant 0 : i32
    %dma_start3A_285 = tpu.memref_slice %arg8[%dma_start3A_283, %dma_start3A_284] : memref<2304x128xf32, #tpu.memory_space<vmem_shared>> -> memref<2304x128xf32, #tpu.memory_space<vmem_shared>>
    tpu.enqueue_indirect_dma source(%arg25 : memref<256x128xf32, #tpu.memory_space<vmem>>) target(%dma_start3A_285 : memref<2304x128xf32, #tpu.memory_space<vmem_shared>>) offsets(%arg9 : memref<256xi32, #tpu.memory_space<vmem>>) semaphore(%arg29 : memref<!tpu.dma_semaphore, #tpu.memory_space<semaphore_mem>>) {add = true}
    %dma_wait3A_286 = tpu.memref_slice %arg2[%add3A_280, %multiple_of3A_35] : memref<16384x1024xf32, #tpu.memory_space<hbm>> -> memref<256x128xf32, #tpu.memory_space<hbm>>
    %dma_wait3A_287 = tpu.memref_slice %arg2[%add3A_280, %multiple_of3A_35] : memref<16384x1024xf32, #tpu.memory_space<hbm>> -> memref<256x128xf32, #tpu.memory_space<hbm>>
    tpu.wait_dma2 semaphore(%arg28 : memref<!tpu.dma_semaphore, #tpu.memory_space<semaphore_mem>>) src(%dma_wait3A_287 : memref<256x128xf32, #tpu.memory_space<hbm>>) dst(%arg26 : memref<256x128xf32, #tpu.memory_space<vmem>>)
    %dma_wait3A_288 = arith.constant 0 : i32
    %dma_wait3A_289 = arith.constant 0 : i32
    %dma_wait3A_290 = tpu.memref_slice %arg8[%dma_wait3A_288, %dma_wait3A_289] : memref<2304x128xf32, #tpu.memory_space<vmem_shared>> -> memref<2304x128xf32, #tpu.memory_space<vmem_shared>>
    tpu.wait_indirect_dma semaphore(%arg29 : memref<!tpu.dma_semaphore, #tpu.memory_space<semaphore_mem>>) src(%arg25 : memref<256x128xf32, #tpu.memory_space<vmem>>) dst(%dma_wait3A_290 : memref<2304x128xf32, #tpu.memory_space<vmem_shared>>)
    %add3A_291 = arith.constant 512 : i32
    %add3A_292 = arith.addi %multiple_of3A, %add3A_291 : i32
    %dma_start3A_293 = tpu.memref_slice %arg2[%add3A_292, %multiple_of3A_35] : memref<16384x1024xf32, #tpu.memory_space<hbm>> -> memref<256x128xf32, #tpu.memory_space<hbm>>
    %dma_start3A_294 = tpu.memref_slice %arg2[%add3A_292, %multiple_of3A_35] : memref<16384x1024xf32, #tpu.memory_space<hbm>> -> memref<256x128xf32, #tpu.memory_space<hbm>>
    tpu.enqueue_dma source(%dma_start3A_294 : memref<256x128xf32, #tpu.memory_space<hbm>>) target(%arg25 : memref<256x128xf32, #tpu.memory_space<vmem>>) target_semaphore(%arg27 : memref<!tpu.dma_semaphore, #tpu.memory_space<semaphore_mem>>)
    %dma_start3A_295 = arith.constant 0 : i32
    %dma_start3A_296 = arith.constant 0 : i32
    %dma_start3A_297 = tpu.memref_slice %arg8[%dma_start3A_295, %dma_start3A_296] : memref<2304x128xf32, #tpu.memory_space<vmem_shared>> -> memref<2304x128xf32, #tpu.memory_space<vmem_shared>>
    tpu.enqueue_indirect_dma source(%arg26 : memref<256x128xf32, #tpu.memory_space<vmem>>) target(%dma_start3A_297 : memref<2304x128xf32, #tpu.memory_space<vmem_shared>>) offsets(%arg10 : memref<256xi32, #tpu.memory_space<vmem>>) semaphore(%arg30 : memref<!tpu.dma_semaphore, #tpu.memory_space<semaphore_mem>>) {add = true}
    %dma_wait3A_298 = tpu.memref_slice %arg2[%add3A_292, %multiple_of3A_35] : memref<16384x1024xf32, #tpu.memory_space<hbm>> -> memref<256x128xf32, #tpu.memory_space<hbm>>
    %dma_wait3A_299 = tpu.memref_slice %arg2[%add3A_292, %multiple_of3A_35] : memref<16384x1024xf32, #tpu.memory_space<hbm>> -> memref<256x128xf32, #tpu.memory_space<hbm>>
    tpu.wait_dma2 semaphore(%arg27 : memref<!tpu.dma_semaphore, #tpu.memory_space<semaphore_mem>>) src(%dma_wait3A_299 : memref<256x128xf32, #tpu.memory_space<hbm>>) dst(%arg25 : memref<256x128xf32, #tpu.memory_space<vmem>>)
    %dma_wait3A_300 = arith.constant 0 : i32
    %dma_wait3A_301 = arith.constant 0 : i32
    %dma_wait3A_302 = tpu.memref_slice %arg8[%dma_wait3A_300, %dma_wait3A_301] : memref<2304x128xf32, #tpu.memory_space<vmem_shared>> -> memref<2304x128xf32, #tpu.memory_space<vmem_shared>>
    tpu.wait_indirect_dma semaphore(%arg30 : memref<!tpu.dma_semaphore, #tpu.memory_space<semaphore_mem>>) src(%arg26 : memref<256x128xf32, #tpu.memory_space<vmem>>) dst(%dma_wait3A_302 : memref<2304x128xf32, #tpu.memory_space<vmem_shared>>)
    %add3A_303 = arith.constant 768 : i32
    %add3A_304 = arith.addi %multiple_of3A, %add3A_303 : i32
    %dma_start3A_305 = tpu.memref_slice %arg2[%add3A_304, %multiple_of3A_35] : memref<16384x1024xf32, #tpu.memory_space<hbm>> -> memref<256x128xf32, #tpu.memory_space<hbm>>
    %dma_start3A_306 = tpu.memref_slice %arg2[%add3A_304, %multiple_of3A_35] : memref<16384x1024xf32, #tpu.memory_space<hbm>> -> memref<256x128xf32, #tpu.memory_space<hbm>>
    tpu.enqueue_dma source(%dma_start3A_306 : memref<256x128xf32, #tpu.memory_space<hbm>>) target(%arg26 : memref<256x128xf32, #tpu.memory_space<vmem>>) target_semaphore(%arg28 : memref<!tpu.dma_semaphore, #tpu.memory_space<semaphore_mem>>)
    %dma_start3A_307 = arith.constant 0 : i32
    %dma_start3A_308 = arith.constant 0 : i32
    %dma_start3A_309 = tpu.memref_slice %arg8[%dma_start3A_307, %dma_start3A_308] : memref<2304x128xf32, #tpu.memory_space<vmem_shared>> -> memref<2304x128xf32, #tpu.memory_space<vmem_shared>>
    tpu.enqueue_indirect_dma source(%arg25 : memref<256x128xf32, #tpu.memory_space<vmem>>) target(%dma_start3A_309 : memref<2304x128xf32, #tpu.memory_space<vmem_shared>>) offsets(%arg11 : memref<256xi32, #tpu.memory_space<vmem>>) semaphore(%arg29 : memref<!tpu.dma_semaphore, #tpu.memory_space<semaphore_mem>>) {add = true}
    %dma_wait3A_310 = tpu.memref_slice %arg2[%add3A_304, %multiple_of3A_35] : memref<16384x1024xf32, #tpu.memory_space<hbm>> -> memref<256x128xf32, #tpu.memory_space<hbm>>
    %dma_wait3A_311 = tpu.memref_slice %arg2[%add3A_304, %multiple_of3A_35] : memref<16384x1024xf32, #tpu.memory_space<hbm>> -> memref<256x128xf32, #tpu.memory_space<hbm>>
    tpu.wait_dma2 semaphore(%arg28 : memref<!tpu.dma_semaphore, #tpu.memory_space<semaphore_mem>>) src(%dma_wait3A_311 : memref<256x128xf32, #tpu.memory_space<hbm>>) dst(%arg26 : memref<256x128xf32, #tpu.memory_space<vmem>>)
    %dma_wait3A_312 = arith.constant 0 : i32
    %dma_wait3A_313 = arith.constant 0 : i32
    %dma_wait3A_314 = tpu.memref_slice %arg8[%dma_wait3A_312, %dma_wait3A_313] : memref<2304x128xf32, #tpu.memory_space<vmem_shared>> -> memref<2304x128xf32, #tpu.memory_space<vmem_shared>>
    tpu.wait_indirect_dma semaphore(%arg29 : memref<!tpu.dma_semaphore, #tpu.memory_space<semaphore_mem>>) src(%arg25 : memref<256x128xf32, #tpu.memory_space<vmem>>) dst(%dma_wait3A_314 : memref<2304x128xf32, #tpu.memory_space<vmem_shared>>)
    %add3A_315 = arith.constant 1024 : i32
    %add3A_316 = arith.addi %multiple_of3A, %add3A_315 : i32
    %dma_start3A_317 = tpu.memref_slice %arg2[%add3A_316, %multiple_of3A_35] : memref<16384x1024xf32, #tpu.memory_space<hbm>> -> memref<256x128xf32, #tpu.memory_space<hbm>>
    %dma_start3A_318 = tpu.memref_slice %arg2[%add3A_316, %multiple_of3A_35] : memref<16384x1024xf32, #tpu.memory_space<hbm>> -> memref<256x128xf32, #tpu.memory_space<hbm>>
    tpu.enqueue_dma source(%dma_start3A_318 : memref<256x128xf32, #tpu.memory_space<hbm>>) target(%arg25 : memref<256x128xf32, #tpu.memory_space<vmem>>) target_semaphore(%arg27 : memref<!tpu.dma_semaphore, #tpu.memory_space<semaphore_mem>>)
    %dma_start3A_319 = arith.constant 0 : i32
    %dma_start3A_320 = arith.constant 0 : i32
    %dma_start3A_321 = tpu.memref_slice %arg8[%dma_start3A_319, %dma_start3A_320] : memref<2304x128xf32, #tpu.memory_space<vmem_shared>> -> memref<2304x128xf32, #tpu.memory_space<vmem_shared>>
    tpu.enqueue_indirect_dma source(%arg26 : memref<256x128xf32, #tpu.memory_space<vmem>>) target(%dma_start3A_321 : memref<2304x128xf32, #tpu.memory_space<vmem_shared>>) offsets(%arg12 : memref<256xi32, #tpu.memory_space<vmem>>) semaphore(%arg30 : memref<!tpu.dma_semaphore, #tpu.memory_space<semaphore_mem>>) {add = true}
    %dma_wait3A_322 = tpu.memref_slice %arg2[%add3A_316, %multiple_of3A_35] : memref<16384x1024xf32, #tpu.memory_space<hbm>> -> memref<256x128xf32, #tpu.memory_space<hbm>>
    %dma_wait3A_323 = tpu.memref_slice %arg2[%add3A_316, %multiple_of3A_35] : memref<16384x1024xf32, #tpu.memory_space<hbm>> -> memref<256x128xf32, #tpu.memory_space<hbm>>
    tpu.wait_dma2 semaphore(%arg27 : memref<!tpu.dma_semaphore, #tpu.memory_space<semaphore_mem>>) src(%dma_wait3A_323 : memref<256x128xf32, #tpu.memory_space<hbm>>) dst(%arg25 : memref<256x128xf32, #tpu.memory_space<vmem>>)
    %dma_wait3A_324 = arith.constant 0 : i32
    %dma_wait3A_325 = arith.constant 0 : i32
    %dma_wait3A_326 = tpu.memref_slice %arg8[%dma_wait3A_324, %dma_wait3A_325] : memref<2304x128xf32, #tpu.memory_space<vmem_shared>> -> memref<2304x128xf32, #tpu.memory_space<vmem_shared>>
    tpu.wait_indirect_dma semaphore(%arg30 : memref<!tpu.dma_semaphore, #tpu.memory_space<semaphore_mem>>) src(%arg26 : memref<256x128xf32, #tpu.memory_space<vmem>>) dst(%dma_wait3A_326 : memref<2304x128xf32, #tpu.memory_space<vmem_shared>>)
    %add3A_327 = arith.constant 1280 : i32
    %add3A_328 = arith.addi %multiple_of3A, %add3A_327 : i32
    %dma_start3A_329 = tpu.memref_slice %arg2[%add3A_328, %multiple_of3A_35] : memref<16384x1024xf32, #tpu.memory_space<hbm>> -> memref<256x128xf32, #tpu.memory_space<hbm>>
    %dma_start3A_330 = tpu.memref_slice %arg2[%add3A_328, %multiple_of3A_35] : memref<16384x1024xf32, #tpu.memory_space<hbm>> -> memref<256x128xf32, #tpu.memory_space<hbm>>
    tpu.enqueue_dma source(%dma_start3A_330 : memref<256x128xf32, #tpu.memory_space<hbm>>) target(%arg26 : memref<256x128xf32, #tpu.memory_space<vmem>>) target_semaphore(%arg28 : memref<!tpu.dma_semaphore, #tpu.memory_space<semaphore_mem>>)
    %dma_start3A_331 = arith.constant 0 : i32
    %dma_start3A_332 = arith.constant 0 : i32
    %dma_start3A_333 = tpu.memref_slice %arg8[%dma_start3A_331, %dma_start3A_332] : memref<2304x128xf32, #tpu.memory_space<vmem_shared>> -> memref<2304x128xf32, #tpu.memory_space<vmem_shared>>
    tpu.enqueue_indirect_dma source(%arg25 : memref<256x128xf32, #tpu.memory_space<vmem>>) target(%dma_start3A_333 : memref<2304x128xf32, #tpu.memory_space<vmem_shared>>) offsets(%arg13 : memref<256xi32, #tpu.memory_space<vmem>>) semaphore(%arg29 : memref<!tpu.dma_semaphore, #tpu.memory_space<semaphore_mem>>) {add = true}
    %dma_wait3A_334 = tpu.memref_slice %arg2[%add3A_328, %multiple_of3A_35] : memref<16384x1024xf32, #tpu.memory_space<hbm>> -> memref<256x128xf32, #tpu.memory_space<hbm>>
    %dma_wait3A_335 = tpu.memref_slice %arg2[%add3A_328, %multiple_of3A_35] : memref<16384x1024xf32, #tpu.memory_space<hbm>> -> memref<256x128xf32, #tpu.memory_space<hbm>>
    tpu.wait_dma2 semaphore(%arg28 : memref<!tpu.dma_semaphore, #tpu.memory_space<semaphore_mem>>) src(%dma_wait3A_335 : memref<256x128xf32, #tpu.memory_space<hbm>>) dst(%arg26 : memref<256x128xf32, #tpu.memory_space<vmem>>)
    %dma_wait3A_336 = arith.constant 0 : i32
    %dma_wait3A_337 = arith.constant 0 : i32
    %dma_wait3A_338 = tpu.memref_slice %arg8[%dma_wait3A_336, %dma_wait3A_337] : memref<2304x128xf32, #tpu.memory_space<vmem_shared>> -> memref<2304x128xf32, #tpu.memory_space<vmem_shared>>
    tpu.wait_indirect_dma semaphore(%arg29 : memref<!tpu.dma_semaphore, #tpu.memory_space<semaphore_mem>>) src(%arg25 : memref<256x128xf32, #tpu.memory_space<vmem>>) dst(%dma_wait3A_338 : memref<2304x128xf32, #tpu.memory_space<vmem_shared>>)
    %add3A_339 = arith.constant 1536 : i32
    %add3A_340 = arith.addi %multiple_of3A, %add3A_339 : i32
    %dma_start3A_341 = tpu.memref_slice %arg2[%add3A_340, %multiple_of3A_35] : memref<16384x1024xf32, #tpu.memory_space<hbm>> -> memref<256x128xf32, #tpu.memory_space<hbm>>
    %dma_start3A_342 = tpu.memref_slice %arg2[%add3A_340, %multiple_of3A_35] : memref<16384x1024xf32, #tpu.memory_space<hbm>> -> memref<256x128xf32, #tpu.memory_space<hbm>>
    tpu.enqueue_dma source(%dma_start3A_342 : memref<256x128xf32, #tpu.memory_space<hbm>>) target(%arg25 : memref<256x128xf32, #tpu.memory_space<vmem>>) target_semaphore(%arg27 : memref<!tpu.dma_semaphore, #tpu.memory_space<semaphore_mem>>)
    %dma_start3A_343 = arith.constant 0 : i32
    %dma_start3A_344 = arith.constant 0 : i32
    %dma_start3A_345 = tpu.memref_slice %arg8[%dma_start3A_343, %dma_start3A_344] : memref<2304x128xf32, #tpu.memory_space<vmem_shared>> -> memref<2304x128xf32, #tpu.memory_space<vmem_shared>>
    tpu.enqueue_indirect_dma source(%arg26 : memref<256x128xf32, #tpu.memory_space<vmem>>) target(%dma_start3A_345 : memref<2304x128xf32, #tpu.memory_space<vmem_shared>>) offsets(%arg14 : memref<256xi32, #tpu.memory_space<vmem>>) semaphore(%arg30 : memref<!tpu.dma_semaphore, #tpu.memory_space<semaphore_mem>>) {add = true}
    %dma_wait3A_346 = tpu.memref_slice %arg2[%add3A_340, %multiple_of3A_35] : memref<16384x1024xf32, #tpu.memory_space<hbm>> -> memref<256x128xf32, #tpu.memory_space<hbm>>
    %dma_wait3A_347 = tpu.memref_slice %arg2[%add3A_340, %multiple_of3A_35] : memref<16384x1024xf32, #tpu.memory_space<hbm>> -> memref<256x128xf32, #tpu.memory_space<hbm>>
    tpu.wait_dma2 semaphore(%arg27 : memref<!tpu.dma_semaphore, #tpu.memory_space<semaphore_mem>>) src(%dma_wait3A_347 : memref<256x128xf32, #tpu.memory_space<hbm>>) dst(%arg25 : memref<256x128xf32, #tpu.memory_space<vmem>>)
    %dma_wait3A_348 = arith.constant 0 : i32
    %dma_wait3A_349 = arith.constant 0 : i32
    %dma_wait3A_350 = tpu.memref_slice %arg8[%dma_wait3A_348, %dma_wait3A_349] : memref<2304x128xf32, #tpu.memory_space<vmem_shared>> -> memref<2304x128xf32, #tpu.memory_space<vmem_shared>>
    tpu.wait_indirect_dma semaphore(%arg30 : memref<!tpu.dma_semaphore, #tpu.memory_space<semaphore_mem>>) src(%arg26 : memref<256x128xf32, #tpu.memory_space<vmem>>) dst(%dma_wait3A_350 : memref<2304x128xf32, #tpu.memory_space<vmem_shared>>)
    %add3A_351 = arith.constant 1792 : i32
    %add3A_352 = arith.addi %multiple_of3A, %add3A_351 : i32
    %dma_start3A_353 = tpu.memref_slice %arg2[%add3A_352, %multiple_of3A_35] : memref<16384x1024xf32, #tpu.memory_space<hbm>> -> memref<256x128xf32, #tpu.memory_space<hbm>>
    %dma_start3A_354 = tpu.memref_slice %arg2[%add3A_352, %multiple_of3A_35] : memref<16384x1024xf32, #tpu.memory_space<hbm>> -> memref<256x128xf32, #tpu.memory_space<hbm>>
    tpu.enqueue_dma source(%dma_start3A_354 : memref<256x128xf32, #tpu.memory_space<hbm>>) target(%arg26 : memref<256x128xf32, #tpu.memory_space<vmem>>) target_semaphore(%arg28 : memref<!tpu.dma_semaphore, #tpu.memory_space<semaphore_mem>>)
    %dma_start3A_355 = arith.constant 0 : i32
    %dma_start3A_356 = arith.constant 0 : i32
    %dma_start3A_357 = tpu.memref_slice %arg8[%dma_start3A_355, %dma_start3A_356] : memref<2304x128xf32, #tpu.memory_space<vmem_shared>> -> memref<2304x128xf32, #tpu.memory_space<vmem_shared>>
    tpu.enqueue_indirect_dma source(%arg25 : memref<256x128xf32, #tpu.memory_space<vmem>>) target(%dma_start3A_357 : memref<2304x128xf32, #tpu.memory_space<vmem_shared>>) offsets(%arg15 : memref<256xi32, #tpu.memory_space<vmem>>) semaphore(%arg29 : memref<!tpu.dma_semaphore, #tpu.memory_space<semaphore_mem>>) {add = true}
    %dma_wait3A_358 = tpu.memref_slice %arg2[%add3A_352, %multiple_of3A_35] : memref<16384x1024xf32, #tpu.memory_space<hbm>> -> memref<256x128xf32, #tpu.memory_space<hbm>>
    %dma_wait3A_359 = tpu.memref_slice %arg2[%add3A_352, %multiple_of3A_35] : memref<16384x1024xf32, #tpu.memory_space<hbm>> -> memref<256x128xf32, #tpu.memory_space<hbm>>
    tpu.wait_dma2 semaphore(%arg28 : memref<!tpu.dma_semaphore, #tpu.memory_space<semaphore_mem>>) src(%dma_wait3A_359 : memref<256x128xf32, #tpu.memory_space<hbm>>) dst(%arg26 : memref<256x128xf32, #tpu.memory_space<vmem>>)
    %dma_wait3A_360 = arith.constant 0 : i32
    %dma_wait3A_361 = arith.constant 0 : i32
    %dma_wait3A_362 = tpu.memref_slice %arg8[%dma_wait3A_360, %dma_wait3A_361] : memref<2304x128xf32, #tpu.memory_space<vmem_shared>> -> memref<2304x128xf32, #tpu.memory_space<vmem_shared>>
    tpu.wait_indirect_dma semaphore(%arg29 : memref<!tpu.dma_semaphore, #tpu.memory_space<semaphore_mem>>) src(%arg25 : memref<256x128xf32, #tpu.memory_space<vmem>>) dst(%dma_wait3A_362 : memref<2304x128xf32, #tpu.memory_space<vmem_shared>>)
    %add3A_363 = arith.constant 2048 : i32
    %add3A_364 = arith.addi %multiple_of3A, %add3A_363 : i32
    %dma_start3A_365 = tpu.memref_slice %arg2[%add3A_364, %multiple_of3A_35] : memref<16384x1024xf32, #tpu.memory_space<hbm>> -> memref<256x128xf32, #tpu.memory_space<hbm>>
    %dma_start3A_366 = tpu.memref_slice %arg2[%add3A_364, %multiple_of3A_35] : memref<16384x1024xf32, #tpu.memory_space<hbm>> -> memref<256x128xf32, #tpu.memory_space<hbm>>
    tpu.enqueue_dma source(%dma_start3A_366 : memref<256x128xf32, #tpu.memory_space<hbm>>) target(%arg25 : memref<256x128xf32, #tpu.memory_space<vmem>>) target_semaphore(%arg27 : memref<!tpu.dma_semaphore, #tpu.memory_space<semaphore_mem>>)
    %dma_start3A_367 = arith.constant 0 : i32
    %dma_start3A_368 = arith.constant 0 : i32
    %dma_start3A_369 = tpu.memref_slice %arg8[%dma_start3A_367, %dma_start3A_368] : memref<2304x128xf32, #tpu.memory_space<vmem_shared>> -> memref<2304x128xf32, #tpu.memory_space<vmem_shared>>
    tpu.enqueue_indirect_dma source(%arg26 : memref<256x128xf32, #tpu.memory_space<vmem>>) target(%dma_start3A_369 : memref<2304x128xf32, #tpu.memory_space<vmem_shared>>) offsets(%arg16 : memref<256xi32, #tpu.memory_space<vmem>>) semaphore(%arg30 : memref<!tpu.dma_semaphore, #tpu.memory_space<semaphore_mem>>) {add = true}
    %dma_wait3A_370 = tpu.memref_slice %arg2[%add3A_364, %multiple_of3A_35] : memref<16384x1024xf32, #tpu.memory_space<hbm>> -> memref<256x128xf32, #tpu.memory_space<hbm>>
    %dma_wait3A_371 = tpu.memref_slice %arg2[%add3A_364, %multiple_of3A_35] : memref<16384x1024xf32, #tpu.memory_space<hbm>> -> memref<256x128xf32, #tpu.memory_space<hbm>>
    tpu.wait_dma2 semaphore(%arg27 : memref<!tpu.dma_semaphore, #tpu.memory_space<semaphore_mem>>) src(%dma_wait3A_371 : memref<256x128xf32, #tpu.memory_space<hbm>>) dst(%arg25 : memref<256x128xf32, #tpu.memory_space<vmem>>)
    %dma_wait3A_372 = arith.constant 0 : i32
    %dma_wait3A_373 = arith.constant 0 : i32
    %dma_wait3A_374 = tpu.memref_slice %arg8[%dma_wait3A_372, %dma_wait3A_373] : memref<2304x128xf32, #tpu.memory_space<vmem_shared>> -> memref<2304x128xf32, #tpu.memory_space<vmem_shared>>
    tpu.wait_indirect_dma semaphore(%arg30 : memref<!tpu.dma_semaphore, #tpu.memory_space<semaphore_mem>>) src(%arg26 : memref<256x128xf32, #tpu.memory_space<vmem>>) dst(%dma_wait3A_374 : memref<2304x128xf32, #tpu.memory_space<vmem_shared>>)
    %add3A_375 = arith.constant 2304 : i32
    %add3A_376 = arith.addi %multiple_of3A, %add3A_375 : i32
    %dma_start3A_377 = tpu.memref_slice %arg2[%add3A_376, %multiple_of3A_35] : memref<16384x1024xf32, #tpu.memory_space<hbm>> -> memref<256x128xf32, #tpu.memory_space<hbm>>
    %dma_start3A_378 = tpu.memref_slice %arg2[%add3A_376, %multiple_of3A_35] : memref<16384x1024xf32, #tpu.memory_space<hbm>> -> memref<256x128xf32, #tpu.memory_space<hbm>>
    tpu.enqueue_dma source(%dma_start3A_378 : memref<256x128xf32, #tpu.memory_space<hbm>>) target(%arg26 : memref<256x128xf32, #tpu.memory_space<vmem>>) target_semaphore(%arg28 : memref<!tpu.dma_semaphore, #tpu.memory_space<semaphore_mem>>)
    %dma_start3A_379 = arith.constant 0 : i32
    %dma_start3A_380 = arith.constant 0 : i32
    %dma_start3A_381 = tpu.memref_slice %arg8[%dma_start3A_379, %dma_start3A_380] : memref<2304x128xf32, #tpu.memory_space<vmem_shared>> -> memref<2304x128xf32, #tpu.memory_space<vmem_shared>>
    tpu.enqueue_indirect_dma source(%arg25 : memref<256x128xf32, #tpu.memory_space<vmem>>) target(%dma_start3A_381 : memref<2304x128xf32, #tpu.memory_space<vmem_shared>>) offsets(%arg17 : memref<256xi32, #tpu.memory_space<vmem>>) semaphore(%arg29 : memref<!tpu.dma_semaphore, #tpu.memory_space<semaphore_mem>>) {add = true}
    %dma_wait3A_382 = tpu.memref_slice %arg2[%add3A_376, %multiple_of3A_35] : memref<16384x1024xf32, #tpu.memory_space<hbm>> -> memref<256x128xf32, #tpu.memory_space<hbm>>
    %dma_wait3A_383 = tpu.memref_slice %arg2[%add3A_376, %multiple_of3A_35] : memref<16384x1024xf32, #tpu.memory_space<hbm>> -> memref<256x128xf32, #tpu.memory_space<hbm>>
    tpu.wait_dma2 semaphore(%arg28 : memref<!tpu.dma_semaphore, #tpu.memory_space<semaphore_mem>>) src(%dma_wait3A_383 : memref<256x128xf32, #tpu.memory_space<hbm>>) dst(%arg26 : memref<256x128xf32, #tpu.memory_space<vmem>>)
    %dma_wait3A_384 = arith.constant 0 : i32
    %dma_wait3A_385 = arith.constant 0 : i32
    %dma_wait3A_386 = tpu.memref_slice %arg8[%dma_wait3A_384, %dma_wait3A_385] : memref<2304x128xf32, #tpu.memory_space<vmem_shared>> -> memref<2304x128xf32, #tpu.memory_space<vmem_shared>>
    tpu.wait_indirect_dma semaphore(%arg29 : memref<!tpu.dma_semaphore, #tpu.memory_space<semaphore_mem>>) src(%arg25 : memref<256x128xf32, #tpu.memory_space<vmem>>) dst(%dma_wait3A_386 : memref<2304x128xf32, #tpu.memory_space<vmem_shared>>)
    %add3A_387 = arith.constant 2560 : i32
    %add3A_388 = arith.addi %multiple_of3A, %add3A_387 : i32
    %dma_start3A_389 = tpu.memref_slice %arg2[%add3A_388, %multiple_of3A_35] : memref<16384x1024xf32, #tpu.memory_space<hbm>> -> memref<256x128xf32, #tpu.memory_space<hbm>>
    %dma_start3A_390 = tpu.memref_slice %arg2[%add3A_388, %multiple_of3A_35] : memref<16384x1024xf32, #tpu.memory_space<hbm>> -> memref<256x128xf32, #tpu.memory_space<hbm>>
    tpu.enqueue_dma source(%dma_start3A_390 : memref<256x128xf32, #tpu.memory_space<hbm>>) target(%arg25 : memref<256x128xf32, #tpu.memory_space<vmem>>) target_semaphore(%arg27 : memref<!tpu.dma_semaphore, #tpu.memory_space<semaphore_mem>>)
    %dma_start3A_391 = arith.constant 0 : i32
    %dma_start3A_392 = arith.constant 0 : i32
    %dma_start3A_393 = tpu.memref_slice %arg8[%dma_start3A_391, %dma_start3A_392] : memref<2304x128xf32, #tpu.memory_space<vmem_shared>> -> memref<2304x128xf32, #tpu.memory_space<vmem_shared>>
    tpu.enqueue_indirect_dma source(%arg26 : memref<256x128xf32, #tpu.memory_space<vmem>>) target(%dma_start3A_393 : memref<2304x128xf32, #tpu.memory_space<vmem_shared>>) offsets(%arg18 : memref<256xi32, #tpu.memory_space<vmem>>) semaphore(%arg30 : memref<!tpu.dma_semaphore, #tpu.memory_space<semaphore_mem>>) {add = true}
    %dma_wait3A_394 = tpu.memref_slice %arg2[%add3A_388, %multiple_of3A_35] : memref<16384x1024xf32, #tpu.memory_space<hbm>> -> memref<256x128xf32, #tpu.memory_space<hbm>>
    %dma_wait3A_395 = tpu.memref_slice %arg2[%add3A_388, %multiple_of3A_35] : memref<16384x1024xf32, #tpu.memory_space<hbm>> -> memref<256x128xf32, #tpu.memory_space<hbm>>
    tpu.wait_dma2 semaphore(%arg27 : memref<!tpu.dma_semaphore, #tpu.memory_space<semaphore_mem>>) src(%dma_wait3A_395 : memref<256x128xf32, #tpu.memory_space<hbm>>) dst(%arg25 : memref<256x128xf32, #tpu.memory_space<vmem>>)
    %dma_wait3A_396 = arith.constant 0 : i32
    %dma_wait3A_397 = arith.constant 0 : i32
    %dma_wait3A_398 = tpu.memref_slice %arg8[%dma_wait3A_396, %dma_wait3A_397] : memref<2304x128xf32, #tpu.memory_space<vmem_shared>> -> memref<2304x128xf32, #tpu.memory_space<vmem_shared>>
    tpu.wait_indirect_dma semaphore(%arg30 : memref<!tpu.dma_semaphore, #tpu.memory_space<semaphore_mem>>) src(%arg26 : memref<256x128xf32, #tpu.memory_space<vmem>>) dst(%dma_wait3A_398 : memref<2304x128xf32, #tpu.memory_space<vmem_shared>>)
    %add3A_399 = arith.constant 2816 : i32
    %add3A_400 = arith.addi %multiple_of3A, %add3A_399 : i32
    %dma_start3A_401 = tpu.memref_slice %arg2[%add3A_400, %multiple_of3A_35] : memref<16384x1024xf32, #tpu.memory_space<hbm>> -> memref<256x128xf32, #tpu.memory_space<hbm>>
    %dma_start3A_402 = tpu.memref_slice %arg2[%add3A_400, %multiple_of3A_35] : memref<16384x1024xf32, #tpu.memory_space<hbm>> -> memref<256x128xf32, #tpu.memory_space<hbm>>
    tpu.enqueue_dma source(%dma_start3A_402 : memref<256x128xf32, #tpu.memory_space<hbm>>) target(%arg26 : memref<256x128xf32, #tpu.memory_space<vmem>>) target_semaphore(%arg28 : memref<!tpu.dma_semaphore, #tpu.memory_space<semaphore_mem>>)
    %dma_start3A_403 = arith.constant 0 : i32
    %dma_start3A_404 = arith.constant 0 : i32
    %dma_start3A_405 = tpu.memref_slice %arg8[%dma_start3A_403, %dma_start3A_404] : memref<2304x128xf32, #tpu.memory_space<vmem_shared>> -> memref<2304x128xf32, #tpu.memory_space<vmem_shared>>
    tpu.enqueue_indirect_dma source(%arg25 : memref<256x128xf32, #tpu.memory_space<vmem>>) target(%dma_start3A_405 : memref<2304x128xf32, #tpu.memory_space<vmem_shared>>) offsets(%arg19 : memref<256xi32, #tpu.memory_space<vmem>>) semaphore(%arg29 : memref<!tpu.dma_semaphore, #tpu.memory_space<semaphore_mem>>) {add = true}
    %dma_wait3A_406 = tpu.memref_slice %arg2[%add3A_400, %multiple_of3A_35] : memref<16384x1024xf32, #tpu.memory_space<hbm>> -> memref<256x128xf32, #tpu.memory_space<hbm>>
    %dma_wait3A_407 = tpu.memref_slice %arg2[%add3A_400, %multiple_of3A_35] : memref<16384x1024xf32, #tpu.memory_space<hbm>> -> memref<256x128xf32, #tpu.memory_space<hbm>>
    tpu.wait_dma2 semaphore(%arg28 : memref<!tpu.dma_semaphore, #tpu.memory_space<semaphore_mem>>) src(%dma_wait3A_407 : memref<256x128xf32, #tpu.memory_space<hbm>>) dst(%arg26 : memref<256x128xf32, #tpu.memory_space<vmem>>)
    %dma_wait3A_408 = arith.constant 0 : i32
    %dma_wait3A_409 = arith.constant 0 : i32
    %dma_wait3A_410 = tpu.memref_slice %arg8[%dma_wait3A_408, %dma_wait3A_409] : memref<2304x128xf32, #tpu.memory_space<vmem_shared>> -> memref<2304x128xf32, #tpu.memory_space<vmem_shared>>
    tpu.wait_indirect_dma semaphore(%arg29 : memref<!tpu.dma_semaphore, #tpu.memory_space<semaphore_mem>>) src(%arg25 : memref<256x128xf32, #tpu.memory_space<vmem>>) dst(%dma_wait3A_410 : memref<2304x128xf32, #tpu.memory_space<vmem_shared>>)
    %add3A_411 = arith.constant 3072 : i32
    %add3A_412 = arith.addi %multiple_of3A, %add3A_411 : i32
    %dma_start3A_413 = tpu.memref_slice %arg2[%add3A_412, %multiple_of3A_35] : memref<16384x1024xf32, #tpu.memory_space<hbm>> -> memref<256x128xf32, #tpu.memory_space<hbm>>
    %dma_start3A_414 = tpu.memref_slice %arg2[%add3A_412, %multiple_of3A_35] : memref<16384x1024xf32, #tpu.memory_space<hbm>> -> memref<256x128xf32, #tpu.memory_space<hbm>>
    tpu.enqueue_dma source(%dma_start3A_414 : memref<256x128xf32, #tpu.memory_space<hbm>>) target(%arg25 : memref<256x128xf32, #tpu.memory_space<vmem>>) target_semaphore(%arg27 : memref<!tpu.dma_semaphore, #tpu.memory_space<semaphore_mem>>)
    %dma_start3A_415 = arith.constant 0 : i32
    %dma_start3A_416 = arith.constant 0 : i32
    %dma_start3A_417 = tpu.memref_slice %arg8[%dma_start3A_415, %dma_start3A_416] : memref<2304x128xf32, #tpu.memory_space<vmem_shared>> -> memref<2304x128xf32, #tpu.memory_space<vmem_shared>>
    tpu.enqueue_indirect_dma source(%arg26 : memref<256x128xf32, #tpu.memory_space<vmem>>) target(%dma_start3A_417 : memref<2304x128xf32, #tpu.memory_space<vmem_shared>>) offsets(%arg20 : memref<256xi32, #tpu.memory_space<vmem>>) semaphore(%arg30 : memref<!tpu.dma_semaphore, #tpu.memory_space<semaphore_mem>>) {add = true}
    %dma_wait3A_418 = tpu.memref_slice %arg2[%add3A_412, %multiple_of3A_35] : memref<16384x1024xf32, #tpu.memory_space<hbm>> -> memref<256x128xf32, #tpu.memory_space<hbm>>
    %dma_wait3A_419 = tpu.memref_slice %arg2[%add3A_412, %multiple_of3A_35] : memref<16384x1024xf32, #tpu.memory_space<hbm>> -> memref<256x128xf32, #tpu.memory_space<hbm>>
    tpu.wait_dma2 semaphore(%arg27 : memref<!tpu.dma_semaphore, #tpu.memory_space<semaphore_mem>>) src(%dma_wait3A_419 : memref<256x128xf32, #tpu.memory_space<hbm>>) dst(%arg25 : memref<256x128xf32, #tpu.memory_space<vmem>>)
    %dma_wait3A_420 = arith.constant 0 : i32
    %dma_wait3A_421 = arith.constant 0 : i32
    %dma_wait3A_422 = tpu.memref_slice %arg8[%dma_wait3A_420, %dma_wait3A_421] : memref<2304x128xf32, #tpu.memory_space<vmem_shared>> -> memref<2304x128xf32, #tpu.memory_space<vmem_shared>>
    tpu.wait_indirect_dma semaphore(%arg30 : memref<!tpu.dma_semaphore, #tpu.memory_space<semaphore_mem>>) src(%arg26 : memref<256x128xf32, #tpu.memory_space<vmem>>) dst(%dma_wait3A_422 : memref<2304x128xf32, #tpu.memory_space<vmem_shared>>)
    %add3A_423 = arith.constant 3328 : i32
    %add3A_424 = arith.addi %multiple_of3A, %add3A_423 : i32
    %dma_start3A_425 = tpu.memref_slice %arg2[%add3A_424, %multiple_of3A_35] : memref<16384x1024xf32, #tpu.memory_space<hbm>> -> memref<256x128xf32, #tpu.memory_space<hbm>>
    %dma_start3A_426 = tpu.memref_slice %arg2[%add3A_424, %multiple_of3A_35] : memref<16384x1024xf32, #tpu.memory_space<hbm>> -> memref<256x128xf32, #tpu.memory_space<hbm>>
    tpu.enqueue_dma source(%dma_start3A_426 : memref<256x128xf32, #tpu.memory_space<hbm>>) target(%arg26 : memref<256x128xf32, #tpu.memory_space<vmem>>) target_semaphore(%arg28 : memref<!tpu.dma_semaphore, #tpu.memory_space<semaphore_mem>>)
    %dma_start3A_427 = arith.constant 0 : i32
    %dma_start3A_428 = arith.constant 0 : i32
    %dma_start3A_429 = tpu.memref_slice %arg8[%dma_start3A_427, %dma_start3A_428] : memref<2304x128xf32, #tpu.memory_space<vmem_shared>> -> memref<2304x128xf32, #tpu.memory_space<vmem_shared>>
    tpu.enqueue_indirect_dma source(%arg25 : memref<256x128xf32, #tpu.memory_space<vmem>>) target(%dma_start3A_429 : memref<2304x128xf32, #tpu.memory_space<vmem_shared>>) offsets(%arg21 : memref<256xi32, #tpu.memory_space<vmem>>) semaphore(%arg29 : memref<!tpu.dma_semaphore, #tpu.memory_space<semaphore_mem>>) {add = true}
    %dma_wait3A_430 = tpu.memref_slice %arg2[%add3A_424, %multiple_of3A_35] : memref<16384x1024xf32, #tpu.memory_space<hbm>> -> memref<256x128xf32, #tpu.memory_space<hbm>>
    %dma_wait3A_431 = tpu.memref_slice %arg2[%add3A_424, %multiple_of3A_35] : memref<16384x1024xf32, #tpu.memory_space<hbm>> -> memref<256x128xf32, #tpu.memory_space<hbm>>
    tpu.wait_dma2 semaphore(%arg28 : memref<!tpu.dma_semaphore, #tpu.memory_space<semaphore_mem>>) src(%dma_wait3A_431 : memref<256x128xf32, #tpu.memory_space<hbm>>) dst(%arg26 : memref<256x128xf32, #tpu.memory_space<vmem>>)
    %dma_wait3A_432 = arith.constant 0 : i32
    %dma_wait3A_433 = arith.constant 0 : i32
    %dma_wait3A_434 = tpu.memref_slice %arg8[%dma_wait3A_432, %dma_wait3A_433] : memref<2304x128xf32, #tpu.memory_space<vmem_shared>> -> memref<2304x128xf32, #tpu.memory_space<vmem_shared>>
    tpu.wait_indirect_dma semaphore(%arg29 : memref<!tpu.dma_semaphore, #tpu.memory_space<semaphore_mem>>) src(%arg25 : memref<256x128xf32, #tpu.memory_space<vmem>>) dst(%dma_wait3A_434 : memref<2304x128xf32, #tpu.memory_space<vmem_shared>>)
    %add3A_435 = arith.constant 3584 : i32
    %add3A_436 = arith.addi %multiple_of3A, %add3A_435 : i32
    %dma_start3A_437 = tpu.memref_slice %arg2[%add3A_436, %multiple_of3A_35] : memref<16384x1024xf32, #tpu.memory_space<hbm>> -> memref<256x128xf32, #tpu.memory_space<hbm>>
    %dma_start3A_438 = tpu.memref_slice %arg2[%add3A_436, %multiple_of3A_35] : memref<16384x1024xf32, #tpu.memory_space<hbm>> -> memref<256x128xf32, #tpu.memory_space<hbm>>
    tpu.enqueue_dma source(%dma_start3A_438 : memref<256x128xf32, #tpu.memory_space<hbm>>) target(%arg25 : memref<256x128xf32, #tpu.memory_space<vmem>>) target_semaphore(%arg27 : memref<!tpu.dma_semaphore, #tpu.memory_space<semaphore_mem>>)
    %dma_start3A_439 = arith.constant 0 : i32
    %dma_start3A_440 = arith.constant 0 : i32
    %dma_start3A_441 = tpu.memref_slice %arg8[%dma_start3A_439, %dma_start3A_440] : memref<2304x128xf32, #tpu.memory_space<vmem_shared>> -> memref<2304x128xf32, #tpu.memory_space<vmem_shared>>
    tpu.enqueue_indirect_dma source(%arg26 : memref<256x128xf32, #tpu.memory_space<vmem>>) target(%dma_start3A_441 : memref<2304x128xf32, #tpu.memory_space<vmem_shared>>) offsets(%arg22 : memref<256xi32, #tpu.memory_space<vmem>>) semaphore(%arg30 : memref<!tpu.dma_semaphore, #tpu.memory_space<semaphore_mem>>) {add = true}
    %dma_wait3A_442 = tpu.memref_slice %arg2[%add3A_436, %multiple_of3A_35] : memref<16384x1024xf32, #tpu.memory_space<hbm>> -> memref<256x128xf32, #tpu.memory_space<hbm>>
    %dma_wait3A_443 = tpu.memref_slice %arg2[%add3A_436, %multiple_of3A_35] : memref<16384x1024xf32, #tpu.memory_space<hbm>> -> memref<256x128xf32, #tpu.memory_space<hbm>>
    tpu.wait_dma2 semaphore(%arg27 : memref<!tpu.dma_semaphore, #tpu.memory_space<semaphore_mem>>) src(%dma_wait3A_443 : memref<256x128xf32, #tpu.memory_space<hbm>>) dst(%arg25 : memref<256x128xf32, #tpu.memory_space<vmem>>)
    %dma_wait3A_444 = arith.constant 0 : i32
    %dma_wait3A_445 = arith.constant 0 : i32
    %dma_wait3A_446 = tpu.memref_slice %arg8[%dma_wait3A_444, %dma_wait3A_445] : memref<2304x128xf32, #tpu.memory_space<vmem_shared>> -> memref<2304x128xf32, #tpu.memory_space<vmem_shared>>
    tpu.wait_indirect_dma semaphore(%arg30 : memref<!tpu.dma_semaphore, #tpu.memory_space<semaphore_mem>>) src(%arg26 : memref<256x128xf32, #tpu.memory_space<vmem>>) dst(%dma_wait3A_446 : memref<2304x128xf32, #tpu.memory_space<vmem_shared>>)
    %add3A_447 = arith.constant 3840 : i32
    %add3A_448 = arith.addi %multiple_of3A, %add3A_447 : i32
    %dma_start3A_449 = tpu.memref_slice %arg2[%add3A_448, %multiple_of3A_35] : memref<16384x1024xf32, #tpu.memory_space<hbm>> -> memref<256x128xf32, #tpu.memory_space<hbm>>
    %dma_start3A_450 = tpu.memref_slice %arg2[%add3A_448, %multiple_of3A_35] : memref<16384x1024xf32, #tpu.memory_space<hbm>> -> memref<256x128xf32, #tpu.memory_space<hbm>>
    tpu.enqueue_dma source(%dma_start3A_450 : memref<256x128xf32, #tpu.memory_space<hbm>>) target(%arg26 : memref<256x128xf32, #tpu.memory_space<vmem>>) target_semaphore(%arg28 : memref<!tpu.dma_semaphore, #tpu.memory_space<semaphore_mem>>)
    %dma_start3A_451 = arith.constant 0 : i32
    %dma_start3A_452 = arith.constant 0 : i32
    %dma_start3A_453 = tpu.memref_slice %arg8[%dma_start3A_451, %dma_start3A_452] : memref<2304x128xf32, #tpu.memory_space<vmem_shared>> -> memref<2304x128xf32, #tpu.memory_space<vmem_shared>>
    tpu.enqueue_indirect_dma source(%arg25 : memref<256x128xf32, #tpu.memory_space<vmem>>) target(%dma_start3A_453 : memref<2304x128xf32, #tpu.memory_space<vmem_shared>>) offsets(%arg23 : memref<256xi32, #tpu.memory_space<vmem>>) semaphore(%arg29 : memref<!tpu.dma_semaphore, #tpu.memory_space<semaphore_mem>>) {add = true}
    %dma_wait3A_454 = tpu.memref_slice %arg2[%add3A_448, %multiple_of3A_35] : memref<16384x1024xf32, #tpu.memory_space<hbm>> -> memref<256x128xf32, #tpu.memory_space<hbm>>
    %dma_wait3A_455 = tpu.memref_slice %arg2[%add3A_448, %multiple_of3A_35] : memref<16384x1024xf32, #tpu.memory_space<hbm>> -> memref<256x128xf32, #tpu.memory_space<hbm>>
    tpu.wait_dma2 semaphore(%arg28 : memref<!tpu.dma_semaphore, #tpu.memory_space<semaphore_mem>>) src(%dma_wait3A_455 : memref<256x128xf32, #tpu.memory_space<hbm>>) dst(%arg26 : memref<256x128xf32, #tpu.memory_space<vmem>>)
    %dma_start3A_456 = arith.constant 0 : i32
    %dma_start3A_457 = arith.constant 0 : i32
    %dma_start3A_458 = tpu.memref_slice %arg8[%dma_start3A_456, %dma_start3A_457] : memref<2304x128xf32, #tpu.memory_space<vmem_shared>> -> memref<2304x128xf32, #tpu.memory_space<vmem_shared>>
    tpu.enqueue_indirect_dma source(%arg26 : memref<256x128xf32, #tpu.memory_space<vmem>>) target(%dma_start3A_458 : memref<2304x128xf32, #tpu.memory_space<vmem_shared>>) offsets(%arg24 : memref<256xi32, #tpu.memory_space<vmem>>) semaphore(%arg30 : memref<!tpu.dma_semaphore, #tpu.memory_space<semaphore_mem>>) {add = true}
    %dma_wait3A_459 = arith.constant 0 : i32
    %dma_wait3A_460 = arith.constant 0 : i32
    %dma_wait3A_461 = tpu.memref_slice %arg8[%dma_wait3A_459, %dma_wait3A_460] : memref<2304x128xf32, #tpu.memory_space<vmem_shared>> -> memref<2304x128xf32, #tpu.memory_space<vmem_shared>>
    tpu.wait_indirect_dma semaphore(%arg29 : memref<!tpu.dma_semaphore, #tpu.memory_space<semaphore_mem>>) src(%arg25 : memref<256x128xf32, #tpu.memory_space<vmem>>) dst(%dma_wait3A_461 : memref<2304x128xf32, #tpu.memory_space<vmem_shared>>)
    %dma_wait3A_462 = arith.constant 0 : i32
    %dma_wait3A_463 = arith.constant 0 : i32
    %dma_wait3A_464 = tpu.memref_slice %arg8[%dma_wait3A_462, %dma_wait3A_463] : memref<2304x128xf32, #tpu.memory_space<vmem_shared>> -> memref<2304x128xf32, #tpu.memory_space<vmem_shared>>
    tpu.wait_indirect_dma semaphore(%arg30 : memref<!tpu.dma_semaphore, #tpu.memory_space<semaphore_mem>>) src(%arg26 : memref<256x128xf32, #tpu.memory_space<vmem>>) dst(%dma_wait3A_464 : memref<2304x128xf32, #tpu.memory_space<vmem_shared>>)
    "tpu.region"() ({
      %run_scoped3A_485 = tpu.sem_alloc : memref<!tpu.dma_semaphore, #tpu.memory_space<semaphore_mem>>
      tpu.enqueue_dma source(%arg6 : memref<256x128xf32, #tpu.memory_space<hbm>>) target(%arg25 : memref<256x128xf32, #tpu.memory_space<vmem>>) target_semaphore(%run_scoped3A_485 : memref<!tpu.dma_semaphore, #tpu.memory_space<semaphore_mem>>)
      tpu.wait_dma2 semaphore(%run_scoped3A_485 : memref<!tpu.dma_semaphore, #tpu.memory_space<semaphore_mem>>) src(%arg6 : memref<256x128xf32, #tpu.memory_space<hbm>>) dst(%arg25 : memref<256x128xf32, #tpu.memory_space<vmem>>)
      tpu.yield
    }) : () -> ()
    %mul3A_465 = arith.constant 2 : i32
    %mul3A_466 = arith.muli %select_n3A_30, %mul3A_465 : i32
    %add3A_467 = arith.constant 0 : i32
    %add3A_468 = arith.addi %mul3A_466, %add3A_467 : i32
    %run_scoped3A = arith.constant 8 : i32
    "tpu.region"() ({
      %run_scoped3A_485 = tpu.sem_alloc : memref<!tpu.dma_semaphore, #tpu.memory_space<semaphore_mem>>
      %dma_start3A_486 = arith.constant 0 : i32
      %dma_start3A_487 = tpu.memref_slice %arg3[%run_scoped3A, %select_n3A, %add3A_468, %dma_start3A_486] : memref<9x4x16x256xi32, #tpu.memory_space<hbm>> -> memref<1x1x1x256xi32, #tpu.memory_space<hbm>>
      %dma_start3A_488 = tpu.memref_squeeze %dma_start3A_487 : memref<1x1x1x256xi32, #tpu.memory_space<hbm>> -> memref<256xi32, #tpu.memory_space<hbm>>
      %dma_start3A_489 = arith.constant 0 : i32
      %dma_start3A_490 = tpu.memref_slice %arg3[%run_scoped3A, %select_n3A, %add3A_468, %dma_start3A_489] : memref<9x4x16x256xi32, #tpu.memory_space<hbm>> -> memref<1x1x1x256xi32, #tpu.memory_space<hbm>>
      %dma_start3A_491 = tpu.memref_squeeze %dma_start3A_490 : memref<1x1x1x256xi32, #tpu.memory_space<hbm>> -> memref<256xi32, #tpu.memory_space<hbm>>
      tpu.enqueue_dma source(%dma_start3A_491 : memref<256xi32, #tpu.memory_space<hbm>>) target(%arg9 : memref<256xi32, #tpu.memory_space<vmem>>) target_semaphore(%run_scoped3A_485 : memref<!tpu.dma_semaphore, #tpu.memory_space<semaphore_mem>>)
      %dma_wait3A_492 = arith.constant 0 : i32
      %dma_wait3A_493 = tpu.memref_slice %arg3[%run_scoped3A, %select_n3A, %add3A_468, %dma_wait3A_492] : memref<9x4x16x256xi32, #tpu.memory_space<hbm>> -> memref<1x1x1x256xi32, #tpu.memory_space<hbm>>
      %dma_wait3A_494 = tpu.memref_squeeze %dma_wait3A_493 : memref<1x1x1x256xi32, #tpu.memory_space<hbm>> -> memref<256xi32, #tpu.memory_space<hbm>>
      %dma_wait3A_495 = arith.constant 0 : i32
      %dma_wait3A_496 = tpu.memref_slice %arg3[%run_scoped3A, %select_n3A, %add3A_468, %dma_wait3A_495] : memref<9x4x16x256xi32, #tpu.memory_space<hbm>> -> memref<1x1x1x256xi32, #tpu.memory_space<hbm>>
      %dma_wait3A_497 = tpu.memref_squeeze %dma_wait3A_496 : memref<1x1x1x256xi32, #tpu.memory_space<hbm>> -> memref<256xi32, #tpu.memory_space<hbm>>
      tpu.wait_dma2 semaphore(%run_scoped3A_485 : memref<!tpu.dma_semaphore, #tpu.memory_space<semaphore_mem>>) src(%dma_wait3A_497 : memref<256xi32, #tpu.memory_space<hbm>>) dst(%arg9 : memref<256xi32, #tpu.memory_space<vmem>>)
      tpu.yield
    }) : () -> ()
    "tpu.region"() ({
      %run_scoped3A_485 = tpu.sem_alloc : memref<!tpu.dma_semaphore, #tpu.memory_space<semaphore_mem>>
      %dma_start3A_486 = arith.constant 0 : i32
      %dma_start3A_487 = arith.constant 0 : i32
      %dma_start3A_488 = tpu.memref_slice %arg8[%dma_start3A_486, %dma_start3A_487] : memref<2304x128xf32, #tpu.memory_space<vmem_shared>> -> memref<2304x128xf32, #tpu.memory_space<vmem_shared>>
      tpu.enqueue_indirect_dma source(%arg25 : memref<256x128xf32, #tpu.memory_space<vmem>>) target(%dma_start3A_488 : memref<2304x128xf32, #tpu.memory_space<vmem_shared>>) offsets(%arg9 : memref<256xi32, #tpu.memory_space<vmem>>) semaphore(%run_scoped3A_485 : memref<!tpu.dma_semaphore, #tpu.memory_space<semaphore_mem>>) {add = true}
      %dma_wait3A_489 = arith.constant 0 : i32
      %dma_wait3A_490 = arith.constant 0 : i32
      %dma_wait3A_491 = tpu.memref_slice %arg8[%dma_wait3A_489, %dma_wait3A_490] : memref<2304x128xf32, #tpu.memory_space<vmem_shared>> -> memref<2304x128xf32, #tpu.memory_space<vmem_shared>>
      tpu.wait_indirect_dma semaphore(%run_scoped3A_485 : memref<!tpu.dma_semaphore, #tpu.memory_space<semaphore_mem>>) src(%arg25 : memref<256x128xf32, #tpu.memory_space<vmem>>) dst(%dma_wait3A_491 : memref<2304x128xf32, #tpu.memory_space<vmem_shared>>)
      tpu.yield
    }) : () -> ()
    %mul3A_469 = arith.constant 2 : i32
    %mul3A_470 = arith.muli %select_n3A_30, %mul3A_469 : i32
    %add3A_471 = arith.constant 1 : i32
    %add3A_472 = arith.addi %mul3A_470, %add3A_471 : i32
    %run_scoped3A_473 = arith.constant 8 : i32
    "tpu.region"() ({
      %run_scoped3A_485 = tpu.sem_alloc : memref<!tpu.dma_semaphore, #tpu.memory_space<semaphore_mem>>
      %dma_start3A_486 = arith.constant 0 : i32
      %dma_start3A_487 = tpu.memref_slice %arg3[%run_scoped3A_473, %select_n3A, %add3A_472, %dma_start3A_486] : memref<9x4x16x256xi32, #tpu.memory_space<hbm>> -> memref<1x1x1x256xi32, #tpu.memory_space<hbm>>
      %dma_start3A_488 = tpu.memref_squeeze %dma_start3A_487 : memref<1x1x1x256xi32, #tpu.memory_space<hbm>> -> memref<256xi32, #tpu.memory_space<hbm>>
      %dma_start3A_489 = arith.constant 0 : i32
      %dma_start3A_490 = tpu.memref_slice %arg3[%run_scoped3A_473, %select_n3A, %add3A_472, %dma_start3A_489] : memref<9x4x16x256xi32, #tpu.memory_space<hbm>> -> memref<1x1x1x256xi32, #tpu.memory_space<hbm>>
      %dma_start3A_491 = tpu.memref_squeeze %dma_start3A_490 : memref<1x1x1x256xi32, #tpu.memory_space<hbm>> -> memref<256xi32, #tpu.memory_space<hbm>>
      tpu.enqueue_dma source(%dma_start3A_491 : memref<256xi32, #tpu.memory_space<hbm>>) target(%arg10 : memref<256xi32, #tpu.memory_space<vmem>>) target_semaphore(%run_scoped3A_485 : memref<!tpu.dma_semaphore, #tpu.memory_space<semaphore_mem>>)
      %dma_wait3A_492 = arith.constant 0 : i32
      %dma_wait3A_493 = tpu.memref_slice %arg3[%run_scoped3A_473, %select_n3A, %add3A_472, %dma_wait3A_492] : memref<9x4x16x256xi32, #tpu.memory_space<hbm>> -> memref<1x1x1x256xi32, #tpu.memory_space<hbm>>
      %dma_wait3A_494 = tpu.memref_squeeze %dma_wait3A_493 : memref<1x1x1x256xi32, #tpu.memory_space<hbm>> -> memref<256xi32, #tpu.memory_space<hbm>>
      %dma_wait3A_495 = arith.constant 0 : i32
      %dma_wait3A_496 = tpu.memref_slice %arg3[%run_scoped3A_473, %select_n3A, %add3A_472, %dma_wait3A_495] : memref<9x4x16x256xi32, #tpu.memory_space<hbm>> -> memref<1x1x1x256xi32, #tpu.memory_space<hbm>>
      %dma_wait3A_497 = tpu.memref_squeeze %dma_wait3A_496 : memref<1x1x1x256xi32, #tpu.memory_space<hbm>> -> memref<256xi32, #tpu.memory_space<hbm>>
      tpu.wait_dma2 semaphore(%run_scoped3A_485 : memref<!tpu.dma_semaphore, #tpu.memory_space<semaphore_mem>>) src(%dma_wait3A_497 : memref<256xi32, #tpu.memory_space<hbm>>) dst(%arg10 : memref<256xi32, #tpu.memory_space<vmem>>)
      tpu.yield
    }) : () -> ()
    "tpu.region"() ({
      %run_scoped3A_485 = tpu.sem_alloc : memref<!tpu.dma_semaphore, #tpu.memory_space<semaphore_mem>>
      %dma_start3A_486 = arith.constant 0 : i32
      %dma_start3A_487 = arith.constant 0 : i32
      %dma_start3A_488 = tpu.memref_slice %arg8[%dma_start3A_486, %dma_start3A_487] : memref<2304x128xf32, #tpu.memory_space<vmem_shared>> -> memref<2304x128xf32, #tpu.memory_space<vmem_shared>>
      tpu.enqueue_indirect_dma source(%arg25 : memref<256x128xf32, #tpu.memory_space<vmem>>) target(%dma_start3A_488 : memref<2304x128xf32, #tpu.memory_space<vmem_shared>>) offsets(%arg10 : memref<256xi32, #tpu.memory_space<vmem>>) semaphore(%run_scoped3A_485 : memref<!tpu.dma_semaphore, #tpu.memory_space<semaphore_mem>>) {add = true}
      %dma_wait3A_489 = arith.constant 0 : i32
      %dma_wait3A_490 = arith.constant 0 : i32
      %dma_wait3A_491 = tpu.memref_slice %arg8[%dma_wait3A_489, %dma_wait3A_490] : memref<2304x128xf32, #tpu.memory_space<vmem_shared>> -> memref<2304x128xf32, #tpu.memory_space<vmem_shared>>
      tpu.wait_indirect_dma semaphore(%run_scoped3A_485 : memref<!tpu.dma_semaphore, #tpu.memory_space<semaphore_mem>>) src(%arg25 : memref<256x128xf32, #tpu.memory_space<vmem>>) dst(%dma_wait3A_491 : memref<2304x128xf32, #tpu.memory_space<vmem_shared>>)
      tpu.yield
    }) : () -> ()
    %barrier3A_474 = arith.constant 0 : index
    tpu.barrier barrier_id(%barrier3A_474)
    %lt3A_475 = arith.constant 8 : i32
    %lt3A_476 = arith.cmpi slt, %arg1, %lt3A_475 : i32
    %convert_element_type3A_477 = arith.extui %lt3A_476 : i1 to i32
    %cond3A_478 = arith.constant 0 : i32
    %cond3A_479 = arith.cmpi ne, %convert_element_type3A_477, %cond3A_478 : i32
    scf.if %cond3A_479 {
      %mul3A_485 = arith.constant 8 : i32
      %mul3A_486 = arith.muli %arg0, %mul3A_485 : i32
      %add3A_487 = arith.addi %mul3A_486, %select_n3A_30 : i32
      "tpu.region"() ({
        %run_scoped3A_488 = tpu.sem_alloc : memref<!tpu.dma_semaphore, #tpu.memory_space<semaphore_mem>>
        %dma_start3A_489 = arith.constant 0 : i32
        %dma_start3A_490 = arith.constant 0 : i32
        %dma_start3A_491 = tpu.memref_slice %arg7[%add3A_487, %dma_start3A_489, %dma_start3A_490] : memref<18x256x128xf32, #tpu.memory_space<hbm>> -> memref<1x256x128xf32, #tpu.memory_space<hbm>>
        %dma_start3A_492 = tpu.memref_squeeze %dma_start3A_491 : memref<1x256x128xf32, #tpu.memory_space<hbm>> -> memref<256x128xf32, #tpu.memory_space<hbm>>
        %dma_start3A_493 = arith.constant 0 : i32
        %dma_start3A_494 = tpu.memref_slice %arg8[%multiple_of3A_40, %dma_start3A_493] : memref<2304x128xf32, #tpu.memory_space<vmem_shared>> -> memref<256x128xf32, #tpu.memory_space<vmem_shared>>
        tpu.enqueue_dma source(%dma_start3A_494 : memref<256x128xf32, #tpu.memory_space<vmem_shared>>) target(%dma_start3A_492 : memref<256x128xf32, #tpu.memory_space<hbm>>) target_semaphore(%run_scoped3A_488 : memref<!tpu.dma_semaphore, #tpu.memory_space<semaphore_mem>>)
        %dma_wait3A_495 = arith.constant 0 : i32
        %dma_wait3A_496 = arith.constant 0 : i32
        %dma_wait3A_497 = tpu.memref_slice %arg7[%add3A_487, %dma_wait3A_495, %dma_wait3A_496] : memref<18x256x128xf32, #tpu.memory_space<hbm>> -> memref<1x256x128xf32, #tpu.memory_space<hbm>>
        %dma_wait3A_498 = tpu.memref_squeeze %dma_wait3A_497 : memref<1x256x128xf32, #tpu.memory_space<hbm>> -> memref<256x128xf32, #tpu.memory_space<hbm>>
        %dma_wait3A_499 = arith.constant 0 : i32
        %dma_wait3A_500 = tpu.memref_slice %arg8[%multiple_of3A_40, %dma_wait3A_499] : memref<2304x128xf32, #tpu.memory_space<vmem_shared>> -> memref<256x128xf32, #tpu.memory_space<vmem_shared>>
        tpu.wait_dma2 semaphore(%run_scoped3A_488 : memref<!tpu.dma_semaphore, #tpu.memory_space<semaphore_mem>>) src(%dma_wait3A_500 : memref<256x128xf32, #tpu.memory_space<vmem_shared>>) dst(%dma_wait3A_498 : memref<256x128xf32, #tpu.memory_space<hbm>>)
        tpu.yield
      }) : () -> ()
    } else {
    }
    %eq3A_480 = arith.constant 0 : i32
    %eq3A_481 = arith.cmpi eq, %arg1, %eq3A_480 : i32
    %convert_element_type3A_482 = arith.extui %eq3A_481 : i1 to i32
    %cond3A_483 = arith.constant 0 : i32
    %cond3A_484 = arith.cmpi ne, %convert_element_type3A_482, %cond3A_483 : i32
    scf.if %cond3A_484 {
      %add3A_485 = arith.constant 16 : i32
      %add3A_486 = arith.addi %add3A_485, %arg0 : i32
      "tpu.region"() ({
        %run_scoped3A_487 = tpu.sem_alloc : memref<!tpu.dma_semaphore, #tpu.memory_space<semaphore_mem>>
        %dma_start3A_488 = arith.constant 0 : i32
        %dma_start3A_489 = arith.constant 0 : i32
        %dma_start3A_490 = tpu.memref_slice %arg7[%add3A_486, %dma_start3A_488, %dma_start3A_489] : memref<18x256x128xf32, #tpu.memory_space<hbm>> -> memref<1x256x128xf32, #tpu.memory_space<hbm>>
        %dma_start3A_491 = tpu.memref_squeeze %dma_start3A_490 : memref<1x256x128xf32, #tpu.memory_space<hbm>> -> memref<256x128xf32, #tpu.memory_space<hbm>>
        %dma_start3A_492 = arith.constant 2048 : i32
        %dma_start3A_493 = arith.constant 0 : i32
        %dma_start3A_494 = tpu.memref_slice %arg8[%dma_start3A_492, %dma_start3A_493] : memref<2304x128xf32, #tpu.memory_space<vmem_shared>> -> memref<256x128xf32, #tpu.memory_space<vmem_shared>>
        tpu.enqueue_dma source(%dma_start3A_494 : memref<256x128xf32, #tpu.memory_space<vmem_shared>>) target(%dma_start3A_491 : memref<256x128xf32, #tpu.memory_space<hbm>>) target_semaphore(%run_scoped3A_487 : memref<!tpu.dma_semaphore, #tpu.memory_space<semaphore_mem>>)
        %dma_wait3A_495 = arith.constant 0 : i32
        %dma_wait3A_496 = arith.constant 0 : i32
        %dma_wait3A_497 = tpu.memref_slice %arg7[%add3A_486, %dma_wait3A_495, %dma_wait3A_496] : memref<18x256x128xf32, #tpu.memory_space<hbm>> -> memref<1x256x128xf32, #tpu.memory_space<hbm>>
        %dma_wait3A_498 = tpu.memref_squeeze %dma_wait3A_497 : memref<1x256x128xf32, #tpu.memory_space<hbm>> -> memref<256x128xf32, #tpu.memory_space<hbm>>
        %dma_wait3A_499 = arith.constant 2048 : i32
        %dma_wait3A_500 = arith.constant 0 : i32
        %dma_wait3A_501 = tpu.memref_slice %arg8[%dma_wait3A_499, %dma_wait3A_500] : memref<2304x128xf32, #tpu.memory_space<vmem_shared>> -> memref<256x128xf32, #tpu.memory_space<vmem_shared>>
        tpu.wait_dma2 semaphore(%run_scoped3A_487 : memref<!tpu.dma_semaphore, #tpu.memory_space<semaphore_mem>>) src(%dma_wait3A_501 : memref<256x128xf32, #tpu.memory_space<vmem_shared>>) dst(%dma_wait3A_498 : memref<256x128xf32, #tpu.memory_space<hbm>>)
        tpu.yield
      }) : () -> ()
    } else {
    }
    return
  }
}

module attributes {stable_mosaic.version = 14 : i64} {
  func.func @_proj_kernel(%arg0: i32, %arg1: memref<2048x512xf32, #tpu.memory_space<vmem>>, %arg2: memref<1x512xf32, #tpu.memory_space<vmem>>, %arg3: memref<1x512xf32, #tpu.memory_space<vmem>>, %arg4: memref<512x512xf32, #tpu.memory_space<vmem>>, %arg5: memref<1x512xf32, #tpu.memory_space<vmem>>, %arg6: memref<2048x1024xf32, #tpu.memory_space<vmem>>) attributes {dimension_semantics = [#tpu.dimension_semantics<arbitrary>], iteration_bounds = array<i64: 8>, scalar_prefetch = 0 : i64, scratch_operands = 0 : i64, tpu.core_type = #tpu.core_type<tc>, window_params = [{transform_indices = @transform_0, window_bounds = array<i64: 2048, 512>}, {pipeline_mode = #tpu.pipeline_mode<synchronous>, transform_indices = @transform_1, window_bounds = array<i64: 1, 512>}, {pipeline_mode = #tpu.pipeline_mode<synchronous>, transform_indices = @transform_2, window_bounds = array<i64: 1, 512>}, {pipeline_mode = #tpu.pipeline_mode<synchronous>, transform_indices = @transform_3, window_bounds = array<i64: 512, 512>}, {pipeline_mode = #tpu.pipeline_mode<synchronous>, transform_indices = @transform_4, window_bounds = array<i64: 1, 512>}, {transform_indices = @transform_5, window_bounds = array<i64: 2048, 1024>}]} {
    %get3A = arith.constant 0 : index
    %get3A_0 = arith.constant 0 : index
    %get3A_1 = vector.load %arg1[%get3A, %get3A_0] : memref<2048x512xf32, #tpu.memory_space<vmem>>, vector<2048x512xf32>
    %reduce_sum3A = arith.constant dense<0.000000e+00> : vector<2048xf32>
    %reduce_sum3A_2 = vector.multi_reduction <add>, %get3A_1, %reduce_sum3A [1] : vector<2048x512xf32> to vector<2048xf32>
    %broadcast_in_dim3A = vector.shape_cast %reduce_sum3A_2 : vector<2048xf32> to vector<2048x1xf32>
    %div3A = arith.constant 5.120000e+02 : f32
    %div3A_3 = vector.broadcast %div3A : f32 to vector<2048x1xf32>
    %div3A_4 = arith.divf %broadcast_in_dim3A, %div3A_3 : vector<2048x1xf32>
    %sub3A = vector.broadcast %div3A_4 : vector<2048x1xf32> to vector<2048x512xf32>
    %sub3A_5 = arith.subf %get3A_1, %sub3A : vector<2048x512xf32>
    %sub3A_6 = vector.broadcast %div3A_4 : vector<2048x1xf32> to vector<2048x512xf32>
    %sub3A_7 = arith.subf %get3A_1, %sub3A_6 : vector<2048x512xf32>
    %mul3A = arith.mulf %sub3A_5, %sub3A_7 : vector<2048x512xf32>
    %reduce_sum3A_8 = arith.constant dense<0.000000e+00> : vector<2048xf32>
    %reduce_sum3A_9 = vector.multi_reduction <add>, %mul3A, %reduce_sum3A_8 [1] : vector<2048x512xf32> to vector<2048xf32>
    %broadcast_in_dim3A_10 = vector.shape_cast %reduce_sum3A_9 : vector<2048xf32> to vector<2048x1xf32>
    %div3A_11 = arith.constant 5.120000e+02 : f32
    %div3A_12 = vector.broadcast %div3A_11 : f32 to vector<2048x1xf32>
    %div3A_13 = arith.divf %broadcast_in_dim3A_10, %div3A_12 : vector<2048x1xf32>
    %sub3A_14 = vector.broadcast %div3A_4 : vector<2048x1xf32> to vector<2048x512xf32>
    %sub3A_15 = arith.subf %get3A_1, %sub3A_14 : vector<2048x512xf32>
    %add3A = arith.constant 9.99999974E-6 : f32
    %add3A_16 = vector.broadcast %add3A : f32 to vector<2048x1xf32>
    %add3A_17 = arith.addf %div3A_13, %add3A_16 : vector<2048x1xf32>
    %rsqrt3A = math.rsqrt %add3A_17 : vector<2048x1xf32>
    %mul3A_18 = vector.broadcast %rsqrt3A : vector<2048x1xf32> to vector<2048x512xf32>
    %mul3A_19 = arith.mulf %sub3A_15, %mul3A_18 : vector<2048x512xf32>
    %get3A_20 = arith.constant 0 : index
    %get3A_21 = arith.constant 0 : index
    %get3A_22 = vector.load %arg2[%get3A_20, %get3A_21] : memref<1x512xf32, #tpu.memory_space<vmem>>, vector<1x512xf32>
    %mul3A_23 = vector.broadcast %get3A_22 : vector<1x512xf32> to vector<2048x512xf32>
    %mul3A_24 = arith.mulf %mul3A_19, %mul3A_23 : vector<2048x512xf32>
    %get3A_25 = arith.constant 0 : index
    %get3A_26 = arith.constant 0 : index
    %get3A_27 = vector.load %arg3[%get3A_25, %get3A_26] : memref<1x512xf32, #tpu.memory_space<vmem>>, vector<1x512xf32>
    %add3A_28 = vector.broadcast %get3A_27 : vector<1x512xf32> to vector<2048x512xf32>
    %add3A_29 = arith.addf %mul3A_24, %add3A_28 : vector<2048x512xf32>
    %get3A_30 = arith.constant 0 : index
    %get3A_31 = arith.constant 0 : index
    %get3A_32 = vector.load %arg4[%get3A_30, %get3A_31] : memref<512x512xf32, #tpu.memory_space<vmem>>, vector<512x512xf32>
    %dot_general3A = arith.constant dense<0.000000e+00> : vector<2048x512xf32>
    %dot_general3A_33 = tpu.matmul %add3A_29, %get3A_32, %dot_general3A {dimension_numbers = #tpu.dot_dimension_numbers<[1], [1], [0], [0], [0, 0, 1, 0], [], []>, transpose_lhs_hint = false} : vector<2048x512xf32>, vector<512x512xf32>, vector<2048x512xf32> -> vector<2048x512xf32>
    %get3A_34 = arith.constant 0 : index
    %get3A_35 = arith.constant 0 : index
    %get3A_36 = vector.load %arg5[%get3A_34, %get3A_35] : memref<1x512xf32, #tpu.memory_space<vmem>>, vector<1x512xf32>
    %add3A_37 = vector.broadcast %get3A_36 : vector<1x512xf32> to vector<2048x512xf32>
    %add3A_38 = arith.addf %dot_general3A_33, %add3A_37 : vector<2048x512xf32>
    %logistic3A = arith.negf %add3A_38 : vector<2048x512xf32>
    %logistic3A_39 = math.exp %logistic3A : vector<2048x512xf32>
    %logistic3A_40 = arith.constant 1.000000e+00 : f32
    %logistic3A_41 = vector.broadcast %logistic3A_40 : f32 to vector<2048x512xf32>
    %logistic3A_42 = arith.addf %logistic3A_41, %logistic3A_39 : vector<2048x512xf32>
    %logistic3A_43 = arith.divf %logistic3A_41, %logistic3A_42 : vector<2048x512xf32>
    %mul3A_44 = arith.mulf %add3A_38, %logistic3A_43 : vector<2048x512xf32>
    %mul3A_45 = arith.mulf %mul3A_44, %mul3A_44 : vector<2048x512xf32>
    %reduce_sum3A_46 = arith.constant dense<0.000000e+00> : vector<2048xf32>
    %reduce_sum3A_47 = vector.multi_reduction <add>, %mul3A_45, %reduce_sum3A_46 [1] : vector<2048x512xf32> to vector<2048xf32>
    %broadcast_in_dim3A_48 = vector.shape_cast %reduce_sum3A_47 : vector<2048xf32> to vector<2048x1xf32>
    %sqrt3A = math.sqrt %broadcast_in_dim3A_48 : vector<2048x1xf32>
    %max3A = arith.constant 9.99999996E-13 : f32
    %max3A_49 = vector.broadcast %max3A : f32 to vector<2048x1xf32>
    %max3A_50 = arith.maximumf %sqrt3A, %max3A_49 : vector<2048x1xf32>
    %div3A_51 = vector.broadcast %max3A_50 : vector<2048x1xf32> to vector<2048x512xf32>
    %div3A_52 = arith.divf %mul3A_44, %div3A_51 : vector<2048x512xf32>
    %concatenate3A = tpu.concatenate %mul3A_44, %div3A_52 in 1 : vector<2048x512xf32>, vector<2048x512xf32> -> vector<2048x1024xf32>
    %swap3A = arith.constant 0 : index
    %swap3A_53 = arith.constant 0 : index
    %swap3A_54 = vector.load %arg6[%swap3A, %swap3A_53] : memref<2048x1024xf32, #tpu.memory_space<vmem>>, vector<2048x1024xf32>
    tpu.vector_store %arg6[%swap3A, %swap3A_53], %concatenate3A {strides = array<i32>} : memref<2048x1024xf32, #tpu.memory_space<vmem>>, vector<2048x1024xf32>,
    return
  }
  func.func @transform_0(%arg0: i32) -> (i32, i32) {
    %c0_i32 = arith.constant 0 : i32
    %c0_i32_0 = arith.constant 0 : i32
    return %arg0, %c0_i32 : i32, i32
  }
  func.func @transform_1(%arg0: i32) -> (i32, i32) {
    %c0_i32 = arith.constant 0 : i32
    %c0_i32_0 = arith.constant 0 : i32
    %c0_i32_1 = arith.constant 0 : i32
    return %c0_i32, %c0_i32_0 : i32, i32
  }
  func.func @transform_2(%arg0: i32) -> (i32, i32) {
    %c0_i32 = arith.constant 0 : i32
    %c0_i32_0 = arith.constant 0 : i32
    %c0_i32_1 = arith.constant 0 : i32
    return %c0_i32, %c0_i32_0 : i32, i32
  }
  func.func @transform_3(%arg0: i32) -> (i32, i32) {
    %c0_i32 = arith.constant 0 : i32
    %c0_i32_0 = arith.constant 0 : i32
    %c0_i32_1 = arith.constant 0 : i32
    return %c0_i32, %c0_i32_0 : i32, i32
  }
  func.func @transform_4(%arg0: i32) -> (i32, i32) {
    %c0_i32 = arith.constant 0 : i32
    %c0_i32_0 = arith.constant 0 : i32
    %c0_i32_1 = arith.constant 0 : i32
    return %c0_i32, %c0_i32_0 : i32, i32
  }
  func.func @transform_5(%arg0: i32) -> (i32, i32) {
    %c0_i32 = arith.constant 0 : i32
    %c0_i32_0 = arith.constant 0 : i32
    return %arg0, %c0_i32 : i32, i32
  }
}

module attributes {stable_mosaic.version = 14 : i64} {
  func.func @_epi_kernel(%arg0: memref<4608x128xf32, #tpu.memory_space<vmem>>, %arg1: memref<1x1xf32, #tpu.memory_space<vmem>>) attributes {dimension_semantics = [], scalar_prefetch = 0 : i64, scratch_operands = 0 : i64, tpu.core_type = #tpu.core_type<tc>} {
    %broadcast_in_dim3A = arith.constant 0.000000e+00 : f32
    %broadcast_in_dim3A_0 = vector.broadcast %broadcast_in_dim3A : f32 to vector<256x1xf32>
    %broadcast_in_dim3A_1 = arith.constant 0.000000e+00 : f32
    %broadcast_in_dim3A_2 = vector.broadcast %broadcast_in_dim3A_1 : f32 to vector<256x1xf32>
    %get3A = arith.constant 0 : index
    %get3A_3 = arith.constant 0 : index
    %get3A_4 = vector.load %arg0[%get3A, %get3A_3] : memref<4608x128xf32, #tpu.memory_space<vmem>>, vector<256x128xf32>
    %get3A_5 = arith.constant 2048 : index
    %get3A_6 = arith.constant 0 : index
    %get3A_7 = vector.load %arg0[%get3A_5, %get3A_6] : memref<4608x128xf32, #tpu.memory_space<vmem>>, vector<256x128xf32>
    %add3A = arith.addf %get3A_4, %get3A_7 : vector<256x128xf32>
    %get3A_8 = arith.constant 1024 : index
    %get3A_9 = arith.constant 0 : index
    %get3A_10 = vector.load %arg0[%get3A_8, %get3A_9] : memref<4608x128xf32, #tpu.memory_space<vmem>>, vector<256x128xf32>
    %get3A_11 = arith.constant 3072 : index
    %get3A_12 = arith.constant 0 : index
    %get3A_13 = vector.load %arg0[%get3A_11, %get3A_12] : memref<4608x128xf32, #tpu.memory_space<vmem>>, vector<256x128xf32>
    %add3A_14 = arith.addf %get3A_10, %get3A_13 : vector<256x128xf32>
    %mul3A = arith.mulf %add3A, %add3A : vector<256x128xf32>
    %reduce_sum3A = arith.constant dense<0.000000e+00> : vector<256xf32>
    %reduce_sum3A_15 = vector.multi_reduction <add>, %mul3A, %reduce_sum3A [1] : vector<256x128xf32> to vector<256xf32>
    %broadcast_in_dim3A_16 = vector.shape_cast %reduce_sum3A_15 : vector<256xf32> to vector<256x1xf32>
    %add3A_17 = arith.addf %broadcast_in_dim3A_0, %broadcast_in_dim3A_16 : vector<256x1xf32>
    %mul3A_18 = arith.mulf %add3A, %add3A_14 : vector<256x128xf32>
    %reduce_sum3A_19 = arith.constant dense<0.000000e+00> : vector<256xf32>
    %reduce_sum3A_20 = vector.multi_reduction <add>, %mul3A_18, %reduce_sum3A_19 [1] : vector<256x128xf32> to vector<256xf32>
    %broadcast_in_dim3A_21 = vector.shape_cast %reduce_sum3A_20 : vector<256xf32> to vector<256x1xf32>
    %add3A_22 = arith.addf %broadcast_in_dim3A_2, %broadcast_in_dim3A_21 : vector<256x1xf32>
    %get3A_23 = arith.constant 256 : index
    %get3A_24 = arith.constant 0 : index
    %get3A_25 = vector.load %arg0[%get3A_23, %get3A_24] : memref<4608x128xf32, #tpu.memory_space<vmem>>, vector<256x128xf32>
    %get3A_26 = arith.constant 2304 : index
    %get3A_27 = arith.constant 0 : index
    %get3A_28 = vector.load %arg0[%get3A_26, %get3A_27] : memref<4608x128xf32, #tpu.memory_space<vmem>>, vector<256x128xf32>
    %add3A_29 = arith.addf %get3A_25, %get3A_28 : vector<256x128xf32>
    %get3A_30 = arith.constant 1280 : index
    %get3A_31 = arith.constant 0 : index
    %get3A_32 = vector.load %arg0[%get3A_30, %get3A_31] : memref<4608x128xf32, #tpu.memory_space<vmem>>, vector<256x128xf32>
    %get3A_33 = arith.constant 3328 : index
    %get3A_34 = arith.constant 0 : index
    %get3A_35 = vector.load %arg0[%get3A_33, %get3A_34] : memref<4608x128xf32, #tpu.memory_space<vmem>>, vector<256x128xf32>
    %add3A_36 = arith.addf %get3A_32, %get3A_35 : vector<256x128xf32>
    %mul3A_37 = arith.mulf %add3A_29, %add3A_29 : vector<256x128xf32>
    %reduce_sum3A_38 = arith.constant dense<0.000000e+00> : vector<256xf32>
    %reduce_sum3A_39 = vector.multi_reduction <add>, %mul3A_37, %reduce_sum3A_38 [1] : vector<256x128xf32> to vector<256xf32>
    %broadcast_in_dim3A_40 = vector.shape_cast %reduce_sum3A_39 : vector<256xf32> to vector<256x1xf32>
    %add3A_41 = arith.addf %add3A_17, %broadcast_in_dim3A_40 : vector<256x1xf32>
    %mul3A_42 = arith.mulf %add3A_29, %add3A_36 : vector<256x128xf32>
    %reduce_sum3A_43 = arith.constant dense<0.000000e+00> : vector<256xf32>
    %reduce_sum3A_44 = vector.multi_reduction <add>, %mul3A_42, %reduce_sum3A_43 [1] : vector<256x128xf32> to vector<256xf32>
    %broadcast_in_dim3A_45 = vector.shape_cast %reduce_sum3A_44 : vector<256xf32> to vector<256x1xf32>
    %add3A_46 = arith.addf %add3A_22, %broadcast_in_dim3A_45 : vector<256x1xf32>
    %get3A_47 = arith.constant 512 : index
    %get3A_48 = arith.constant 0 : index
    %get3A_49 = vector.load %arg0[%get3A_47, %get3A_48] : memref<4608x128xf32, #tpu.memory_space<vmem>>, vector<256x128xf32>
    %get3A_50 = arith.constant 2560 : index
    %get3A_51 = arith.constant 0 : index
    %get3A_52 = vector.load %arg0[%get3A_50, %get3A_51] : memref<4608x128xf32, #tpu.memory_space<vmem>>, vector<256x128xf32>
    %add3A_53 = arith.addf %get3A_49, %get3A_52 : vector<256x128xf32>
    %get3A_54 = arith.constant 1536 : index
    %get3A_55 = arith.constant 0 : index
    %get3A_56 = vector.load %arg0[%get3A_54, %get3A_55] : memref<4608x128xf32, #tpu.memory_space<vmem>>, vector<256x128xf32>
    %get3A_57 = arith.constant 3584 : index
    %get3A_58 = arith.constant 0 : index
    %get3A_59 = vector.load %arg0[%get3A_57, %get3A_58] : memref<4608x128xf32, #tpu.memory_space<vmem>>, vector<256x128xf32>
    %add3A_60 = arith.addf %get3A_56, %get3A_59 : vector<256x128xf32>
    %mul3A_61 = arith.mulf %add3A_53, %add3A_53 : vector<256x128xf32>
    %reduce_sum3A_62 = arith.constant dense<0.000000e+00> : vector<256xf32>
    %reduce_sum3A_63 = vector.multi_reduction <add>, %mul3A_61, %reduce_sum3A_62 [1] : vector<256x128xf32> to vector<256xf32>
    %broadcast_in_dim3A_64 = vector.shape_cast %reduce_sum3A_63 : vector<256xf32> to vector<256x1xf32>
    %add3A_65 = arith.addf %add3A_41, %broadcast_in_dim3A_64 : vector<256x1xf32>
    %mul3A_66 = arith.mulf %add3A_53, %add3A_60 : vector<256x128xf32>
    %reduce_sum3A_67 = arith.constant dense<0.000000e+00> : vector<256xf32>
    %reduce_sum3A_68 = vector.multi_reduction <add>, %mul3A_66, %reduce_sum3A_67 [1] : vector<256x128xf32> to vector<256xf32>
    %broadcast_in_dim3A_69 = vector.shape_cast %reduce_sum3A_68 : vector<256xf32> to vector<256x1xf32>
    %add3A_70 = arith.addf %add3A_46, %broadcast_in_dim3A_69 : vector<256x1xf32>
    %get3A_71 = arith.constant 768 : index
    %get3A_72 = arith.constant 0 : index
    %get3A_73 = vector.load %arg0[%get3A_71, %get3A_72] : memref<4608x128xf32, #tpu.memory_space<vmem>>, vector<256x128xf32>
    %get3A_74 = arith.constant 2816 : index
    %get3A_75 = arith.constant 0 : index
    %get3A_76 = vector.load %arg0[%get3A_74, %get3A_75] : memref<4608x128xf32, #tpu.memory_space<vmem>>, vector<256x128xf32>
    %add3A_77 = arith.addf %get3A_73, %get3A_76 : vector<256x128xf32>
    %get3A_78 = arith.constant 1792 : index
    %get3A_79 = arith.constant 0 : index
    %get3A_80 = vector.load %arg0[%get3A_78, %get3A_79] : memref<4608x128xf32, #tpu.memory_space<vmem>>, vector<256x128xf32>
    %get3A_81 = arith.constant 3840 : index
    %get3A_82 = arith.constant 0 : index
    %get3A_83 = vector.load %arg0[%get3A_81, %get3A_82] : memref<4608x128xf32, #tpu.memory_space<vmem>>, vector<256x128xf32>
    %add3A_84 = arith.addf %get3A_80, %get3A_83 : vector<256x128xf32>
    %mul3A_85 = arith.mulf %add3A_77, %add3A_77 : vector<256x128xf32>
    %reduce_sum3A_86 = arith.constant dense<0.000000e+00> : vector<256xf32>
    %reduce_sum3A_87 = vector.multi_reduction <add>, %mul3A_85, %reduce_sum3A_86 [1] : vector<256x128xf32> to vector<256xf32>
    %broadcast_in_dim3A_88 = vector.shape_cast %reduce_sum3A_87 : vector<256xf32> to vector<256x1xf32>
    %add3A_89 = arith.addf %add3A_65, %broadcast_in_dim3A_88 : vector<256x1xf32>
    %mul3A_90 = arith.mulf %add3A_77, %add3A_84 : vector<256x128xf32>
    %reduce_sum3A_91 = arith.constant dense<0.000000e+00> : vector<256xf32>
    %reduce_sum3A_92 = vector.multi_reduction <add>, %mul3A_90, %reduce_sum3A_91 [1] : vector<256x128xf32> to vector<256xf32>
    %broadcast_in_dim3A_93 = vector.shape_cast %reduce_sum3A_92 : vector<256xf32> to vector<256x1xf32>
    %add3A_94 = arith.addf %add3A_70, %broadcast_in_dim3A_93 : vector<256x1xf32>
    %sqrt3A = math.sqrt %add3A_89 : vector<256x1xf32>
    %max3A = arith.constant 9.99999996E-13 : f32
    %max3A_95 = vector.broadcast %max3A : f32 to vector<256x1xf32>
    %max3A_96 = arith.maximumf %sqrt3A, %max3A_95 : vector<256x1xf32>
    %div3A = arith.constant 1.000000e+00 : f32
    %div3A_97 = vector.broadcast %div3A : f32 to vector<256x1xf32>
    %div3A_98 = arith.divf %div3A_97, %max3A_96 : vector<256x1xf32>
    %mul3A_99 = arith.mulf %add3A_94, %div3A_98 : vector<256x1xf32>
    %get3A_100 = arith.constant 4096 : index
    %get3A_101 = arith.constant 0 : index
    %get3A_102 = vector.load %arg0[%get3A_100, %get3A_101] : memref<4608x128xf32, #tpu.memory_space<vmem>>, vector<256x128xf32>
    %get3A_103 = arith.constant 4352 : index
    %get3A_104 = arith.constant 0 : index
    %get3A_105 = vector.load %arg0[%get3A_103, %get3A_104] : memref<4608x128xf32, #tpu.memory_space<vmem>>, vector<256x128xf32>
    %add3A_106 = arith.addf %get3A_102, %get3A_105 : vector<256x128xf32>
    %slice3A = vector.extract_strided_slice %add3A_106 {offsets = [0, 0], sizes = [256, 1], strides = [1, 1]} : vector<256x128xf32> to vector<256x1xf32>
    %ge3A = arith.constant 3.000000e+00 : f32
    %ge3A_107 = vector.broadcast %ge3A : f32 to vector<256x1xf32>
    %ge3A_108 = arith.cmpf oge, %slice3A, %ge3A_107 : vector<256x1xf32>
    %convert_element_type3A = arith.extui %ge3A_108 : vector<256x1xi1> to vector<256x1xi32>
    %convert_element_type3A_109 = arith.sitofp %convert_element_type3A : vector<256x1xi32> to vector<256x1xf32>
    %sub3A = arith.subf %slice3A, %mul3A_99 : vector<256x1xf32>
    %mul3A_110 = arith.mulf %convert_element_type3A_109, %sub3A : vector<256x1xf32>
    %reduce_sum3A_111 = vector.shape_cast %mul3A_110 : vector<256x1xf32> to vector<1x256x1xf32>
    %reduce_sum3A_112 = arith.constant dense<0.000000e+00> : vector<1xf32>
    %reduce_sum3A_113 = vector.multi_reduction <add>, %reduce_sum3A_111, %reduce_sum3A_112 [1, 2] : vector<1x256x1xf32> to vector<1xf32>
    %reduce_sum3A_114 = vector.shape_cast %reduce_sum3A_113 : vector<1xf32> to vector<1x1x1xf32>
    %reduce_sum3A_115 = vector.extract %reduce_sum3A_114[0, 0, 0] : f32 from vector<1x1x1xf32>
    %mul3A_116 = arith.mulf %convert_element_type3A_109, %slice3A : vector<256x1xf32>
    %reduce_sum3A_117 = vector.shape_cast %mul3A_116 : vector<256x1xf32> to vector<1x256x1xf32>
    %reduce_sum3A_118 = arith.constant dense<0.000000e+00> : vector<1xf32>
    %reduce_sum3A_119 = vector.multi_reduction <add>, %reduce_sum3A_117, %reduce_sum3A_118 [1, 2] : vector<1x256x1xf32> to vector<1xf32>
    %reduce_sum3A_120 = vector.shape_cast %reduce_sum3A_119 : vector<1xf32> to vector<1x1x1xf32>
    %reduce_sum3A_121 = vector.extract %reduce_sum3A_120[0, 0, 0] : f32 from vector<1x1x1xf32>
    %max3A_122 = arith.constant 9.99999996E-13 : f32
    %max3A_123 = arith.maximumf %reduce_sum3A_121, %max3A_122 : f32
    %div3A_124 = arith.divf %reduce_sum3A_115, %max3A_123 : f32
    %mul3A_125 = vector.broadcast %div3A_98 : vector<256x1xf32> to vector<256x128xf32>
    %mul3A_126 = arith.mulf %add3A, %mul3A_125 : vector<256x128xf32>
    %reduce_sum3A_127 = arith.constant dense<0.000000e+00> : vector<128xf32>
    %reduce_sum3A_128 = vector.multi_reduction <add>, %mul3A_126, %reduce_sum3A_127 [0] : vector<256x128xf32> to vector<128xf32>
    %broadcast_in_dim3A_129 = vector.shape_cast %reduce_sum3A_128 : vector<128xf32> to vector<1x128xf32>
    %mul3A_130 = arith.mulf %broadcast_in_dim3A_129, %broadcast_in_dim3A_129 : vector<1x128xf32>
    %reduce_sum3A_131 = vector.shape_cast %mul3A_130 : vector<1x128xf32> to vector<1x1x128xf32>
    %reduce_sum3A_132 = arith.constant dense<0.000000e+00> : vector<1xf32>
    %reduce_sum3A_133 = vector.multi_reduction <add>, %reduce_sum3A_131, %reduce_sum3A_132 [1, 2] : vector<1x1x128xf32> to vector<1xf32>
    %reduce_sum3A_134 = vector.shape_cast %reduce_sum3A_133 : vector<1xf32> to vector<1x1x1xf32>
    %reduce_sum3A_135 = vector.extract %reduce_sum3A_134[0, 0, 0] : f32 from vector<1x1x1xf32>
    %add3A_136 = arith.constant 0.000000e+00 : f32
    %add3A_137 = arith.addf %add3A_136, %reduce_sum3A_135 : f32
    %mul3A_138 = vector.broadcast %div3A_98 : vector<256x1xf32> to vector<256x128xf32>
    %mul3A_139 = arith.mulf %add3A_29, %mul3A_138 : vector<256x128xf32>
    %reduce_sum3A_140 = arith.constant dense<0.000000e+00> : vector<128xf32>
    %reduce_sum3A_141 = vector.multi_reduction <add>, %mul3A_139, %reduce_sum3A_140 [0] : vector<256x128xf32> to vector<128xf32>
    %broadcast_in_dim3A_142 = vector.shape_cast %reduce_sum3A_141 : vector<128xf32> to vector<1x128xf32>
    %mul3A_143 = arith.mulf %broadcast_in_dim3A_142, %broadcast_in_dim3A_142 : vector<1x128xf32>
    %reduce_sum3A_144 = vector.shape_cast %mul3A_143 : vector<1x128xf32> to vector<1x1x128xf32>
    %reduce_sum3A_145 = arith.constant dense<0.000000e+00> : vector<1xf32>
    %reduce_sum3A_146 = vector.multi_reduction <add>, %reduce_sum3A_144, %reduce_sum3A_145 [1, 2] : vector<1x1x128xf32> to vector<1xf32>
    %reduce_sum3A_147 = vector.shape_cast %reduce_sum3A_146 : vector<1xf32> to vector<1x1x1xf32>
    %reduce_sum3A_148 = vector.extract %reduce_sum3A_147[0, 0, 0] : f32 from vector<1x1x1xf32>
    %add3A_149 = arith.addf %add3A_137, %reduce_sum3A_148 : f32
    %mul3A_150 = vector.broadcast %div3A_98 : vector<256x1xf32> to vector<256x128xf32>
    %mul3A_151 = arith.mulf %add3A_53, %mul3A_150 : vector<256x128xf32>
    %reduce_sum3A_152 = arith.constant dense<0.000000e+00> : vector<128xf32>
    %reduce_sum3A_153 = vector.multi_reduction <add>, %mul3A_151, %reduce_sum3A_152 [0] : vector<256x128xf32> to vector<128xf32>
    %broadcast_in_dim3A_154 = vector.shape_cast %reduce_sum3A_153 : vector<128xf32> to vector<1x128xf32>
    %mul3A_155 = arith.mulf %broadcast_in_dim3A_154, %broadcast_in_dim3A_154 : vector<1x128xf32>
    %reduce_sum3A_156 = vector.shape_cast %mul3A_155 : vector<1x128xf32> to vector<1x1x128xf32>
    %reduce_sum3A_157 = arith.constant dense<0.000000e+00> : vector<1xf32>
    %reduce_sum3A_158 = vector.multi_reduction <add>, %reduce_sum3A_156, %reduce_sum3A_157 [1, 2] : vector<1x1x128xf32> to vector<1xf32>
    %reduce_sum3A_159 = vector.shape_cast %reduce_sum3A_158 : vector<1xf32> to vector<1x1x1xf32>
    %reduce_sum3A_160 = vector.extract %reduce_sum3A_159[0, 0, 0] : f32 from vector<1x1x1xf32>
    %add3A_161 = arith.addf %add3A_149, %reduce_sum3A_160 : f32
    %mul3A_162 = vector.broadcast %div3A_98 : vector<256x1xf32> to vector<256x128xf32>
    %mul3A_163 = arith.mulf %add3A_77, %mul3A_162 : vector<256x128xf32>
    %reduce_sum3A_164 = arith.constant dense<0.000000e+00> : vector<128xf32>
    %reduce_sum3A_165 = vector.multi_reduction <add>, %mul3A_163, %reduce_sum3A_164 [0] : vector<256x128xf32> to vector<128xf32>
    %broadcast_in_dim3A_166 = vector.shape_cast %reduce_sum3A_165 : vector<128xf32> to vector<1x128xf32>
    %mul3A_167 = arith.mulf %broadcast_in_dim3A_166, %broadcast_in_dim3A_166 : vector<1x128xf32>
    %reduce_sum3A_168 = vector.shape_cast %mul3A_167 : vector<1x128xf32> to vector<1x1x128xf32>
    %reduce_sum3A_169 = arith.constant dense<0.000000e+00> : vector<1xf32>
    %reduce_sum3A_170 = vector.multi_reduction <add>, %reduce_sum3A_168, %reduce_sum3A_169 [1, 2] : vector<1x1x128xf32> to vector<1xf32>
    %reduce_sum3A_171 = vector.shape_cast %reduce_sum3A_170 : vector<1xf32> to vector<1x1x1xf32>
    %reduce_sum3A_172 = vector.extract %reduce_sum3A_171[0, 0, 0] : f32 from vector<1x1x1xf32>
    %add3A_173 = arith.addf %add3A_161, %reduce_sum3A_172 : f32
    %mul3A_174 = arith.mulf %add3A_89, %div3A_98 : vector<256x1xf32>
    %mul3A_175 = arith.mulf %mul3A_174, %div3A_98 : vector<256x1xf32>
    %reduce_sum3A_176 = vector.shape_cast %mul3A_175 : vector<256x1xf32> to vector<1x256x1xf32>
    %reduce_sum3A_177 = arith.constant dense<0.000000e+00> : vector<1xf32>
    %reduce_sum3A_178 = vector.multi_reduction <add>, %reduce_sum3A_176, %reduce_sum3A_177 [1, 2] : vector<1x256x1xf32> to vector<1xf32>
    %reduce_sum3A_179 = vector.shape_cast %reduce_sum3A_178 : vector<1xf32> to vector<1x1x1xf32>
    %reduce_sum3A_180 = vector.extract %reduce_sum3A_179[0, 0, 0] : f32 from vector<1x1x1xf32>
    %sub3A_181 = arith.subf %add3A_173, %reduce_sum3A_180 : f32
    %div3A_182 = arith.constant 6.528000e+04 : f32
    %div3A_183 = arith.divf %sub3A_181, %div3A_182 : f32
    %mul3A_184 = arith.constant 2.000000e-01 : f32
    %mul3A_185 = arith.mulf %mul3A_184, %div3A_183 : f32
    %add3A_186 = arith.addf %div3A_124, %mul3A_185 : f32
    %mul3A_187 = arith.constant 1.500000e-03 : f32
    %mul3A_188 = arith.mulf %mul3A_187, %add3A_186 : f32
    %reshape3A = vector.broadcast %mul3A_188 : f32 to vector<1x1xf32>
    %swap3A = arith.constant 0 : index
    %swap3A_189 = arith.constant 0 : index
    %swap3A_190 = vector.load %arg1[%swap3A, %swap3A_189] : memref<1x1xf32, #tpu.memory_space<vmem>>, vector<1x1xf32>
    tpu.vector_store %arg1[%swap3A, %swap3A_189], %reshape3A {strides = array<i32>} : memref<1x1xf32, #tpu.memory_space<vmem>>, vector<1x1xf32>,
    return
  }
}

</mosaic_0001>

<sc_bundles>
// kernel: kernel.5.cloned.1.call-start
scs
__scs_entry_jumppad:
0x0: {  	(pc) =	sbr.rel $0x88, $3  }
0x1: {  	(tag) =	ssettag $0x0;
	lr =	simm.s32 $0x1  }
0x2: {  	[smem:$0x3F9B] =	sst lr;
	_ =	strace $0xD0000000  }
0x3: {  	_ = 	snop  }
0x4: {  	_ = 	snop  }
0x5: {  	_ = 	snop  }
0x6: {  	_ = 	snop  }
0x7: {  	_ = 	snop  }
__scs_overlays_trampoline_lowered:
0x8: {  	[smem:$0x3FAA] =	sst s0  }
0x9: {  	[smem:$0x3FAB] =	sst s1  }
0xa: {  	[smem:$0x3FAC] =	sst s2  }
0xb: {  	[smem:$0x3FAD] =	sst s3  }
0xc: {  	[smem:$0x3FAE] =	sst s4  }
0xd: {  	[smem:$0x3FAF] =	sst s5  }
0xe: {  	[smem:$0x3FB0] =	sst s6  }
0xf: {  	[smem:$0x3FB1] =	sst s7  }
0x10: {  	[smem:$0x3FB2] =	sst s8  }
0x11: {  	[smem:$0x3FB3] =	sst s9;
	s0 =	simm.s32 @!p0 $0x0  }
0x12: {  	s1 =	sld [smem:$0x3F99];
	s0 =	simm.s32 @p0 $0x1  }
0x13: {  	[smem:$0x3FB4] =	sst s0;
	s0 =	simm.s32 @!p1 $0x0  }
0x14: {  	s2 =	sld [smem:$0x3F98];
	s0 =	simm.s32 @p1 $0x1  }
0x15: {  	[smem:$0x3FB5] =	sst s0;
	s0 =	simm.s32 @!p2 $0x0  }
0x16: {  	s3 =	sld [smem:$0x3FDB];
	s0 =	simm.s32 @p2 $0x1  }
0x17: {  	s4 =	simm.s32 $0x1BF5;
	[smem:$0x3FB7] =	sst s0  }
0x18: {  	s0 =	sld [smem:$0x3F9A];
	_ =	swait.ge [sflag:s4], $0x0  }
0x19: {  	s7 =	sld [smem:$0x3F9B]  }
0x1a: {  	s8 =	sadd.s32 $0xFFFFE003, lr  }
0x1b: {  	s9 =	sadd.s32 $0xFFFFFEF7, lr;
	s5 =	simm.s32 $0xFFFFFFFF;
	p2 =	slt.u32 s8, $0xFFFFF086  }
0x1c: {  	p1 =	slt.u32 s9, $0xF7A;
	s5 =	simm.s32 @!p2 $0x0  }
0x1d: {  	s5 =	simm.s32 @p1 $0x1;
	p0 =	seq.s32 s7, s2  }
0x1e: {  	s7 =	smul.u32 @!p0 $0xF7A, s2;
	p2 =	seq.s32 @!p0 s5, $0x0  }
0x1f: {  	s9 =	smul.u32 $0xF7A, s1;
	s8 =	simm.s32 @!p0 $0x1BF5;
	p2 =	por !p2, p0  }
0x20: {  	[sflag:s8] =	ssyncset.s32 @!p0 $0xFFFFF086;
	s6 =	sadd.s32 @!p0 s3, s7;
	s7 =	simm.s32 @!p0 $0x108  }
0x21: {  	s3 =	sadd.s32 s3, s9;
	s6 =	sadd.s32 @!p0 $0x88, s6;
	s7 =	simm.s32 @p2 $0x1082  }
0x22: {  	[simem:s7], [sflag:s8] =	dma.local @!p0 [hbm:s6], $0xF7A  }
0x23: {  	s9 =	sor.u32 $0xD0000000, s2;
	s6 =	simm.s32 $0x108;
	_ =	swait.ge @!p0 [sflag:s8], $0x0  }
0x24: {  	s3 =	sadd.s32 $0x88, s3;
	s6 =	simm.s32 @!p1 $0x1082;
	[sflag:s4] =	ssyncset.s32 $0xFFFFF086  }
0x25: {  	[simem:s6], [sflag:s4] =	dma.local [hbm:s3], $0xF7A  }
0x26: {  	[smem:$0x3F9B] =	sst s1;
	(tag) =	ssettag s2;
	_ =	strace s9  }
0x27: {  	s1 =	sld [smem:$0x3FAB]  }
0x28: {  	s2 =	sld [smem:$0x3FAC]  }
0x29: {  	s4 =	sld [smem:$0x3FAE]  }
0x2a: {  	p0 =	seq.s32 s5, $0x0;
	s5 =	sld [smem:$0x3FAF]  }
0x2b: {  	s6 =	sld [smem:$0x3FB0]  }
0x2c: {  	s7 =	sld [smem:$0x3FB1]  }
0x2d: {  	s3 =	simm.s32 $0x108;
	s8 =	sld [smem:$0x3FB2]  }
0x2e: {  	s3 =	simm.s32 @!p0 $0x1082;
	s9 =	sld [smem:$0x3FB3]  }
0x2f: {  	lr =	sadd.s32 s0, s3;
	s0 =	sld [smem:$0x3FAA]  }
0x30: {  	s3 =	sld [smem:$0x3FAD]  }
0x31: {  	[smem:$0x3FB6] =	sst s10  }
0x32: {  	s10 =	sld [smem:$0x3FB4];
	_ =	sdelay $0x3  }
0x33: {  	p0 =	seq.s32 s10, $0x1;
	s10 =	sld [smem:$0x3FB6];
	_ =	sdelay $0x3  }
0x34: {  	[smem:$0x3FB6] =	sst s10  }
0x35: {  	s10 =	sld [smem:$0x3FB5];
	_ =	sdelay $0x3  }
0x36: {  	p1 =	seq.s32 s10, $0x1;
	s10 =	sld [smem:$0x3FB6];
	_ =	sdelay $0x3  }
0x37: {  	[smem:$0x3FB6] =	sst s10  }
0x38: {  	s10 =	sld [smem:$0x3FB7]  }
0x39: {  	_ = 	snop;
	(pc) =	sbr.ind lr, $3  }
0x3a: {  	_ = 	snop  }
0x3b: {  	_ = 	snop  }
0x3c: {  	p2 =	seq.s32 s10, $0x1;
	s10 =	sld [smem:$0x3FB6]  }
0x3d: {  	_ =	shalt  }
0x3e: {  	_ =	shalt  }
0x3f: {  	_ =	shalt  }
0x40: {  	_ =	shalt  }
0x41: {  	_ =	shalt  }
0x42: {  	_ =	shalt  }
0x43: {  	_ =	shalt  }
0x44: {  	_ =	shalt  }
0x45: {  	_ =	shalt  }
0x46: {  	_ =	shalt  }
0x47: {  	_ =	shalt  }
0x48: {  	_ =	shalt  }
0x49: {  	_ =	shalt  }
0x4a: {  	_ =	shalt  }
0x4b: {  	_ =	shalt  }
0x4c: {  	_ =	shalt  }
0x4d: {  	_ =	shalt  }
0x4e: {  	_ =	shalt  }
0x4f: {  	_ =	shalt  }
0x50: {  	_ =	shalt  }
0x51: {  	_ =	shalt  }
0x52: {  	_ =	shalt  }
0x53: {  	_ =	shalt  }
0x54: {  	_ =	shalt  }
0x55: {  	_ =	shalt  }
0x56: {  	_ =	shalt  }
0x57: {  	_ =	shalt  }
0x58: {  	_ =	shalt  }
0x59: {  	_ =	shalt  }
0x5a: {  	_ =	shalt  }
0x5b: {  	_ =	shalt  }
0x5c: {  	_ =	shalt  }
0x5d: {  	_ =	shalt  }
0x5e: {  	_ =	shalt  }
0x5f: {  	_ =	shalt  }
0x60: {  	_ =	shalt  }
0x61: {  	_ =	shalt  }
0x62: {  	_ =	shalt  }
0x63: {  	_ =	shalt  }
0x64: {  	_ =	shalt  }
0x65: {  	_ =	shalt  }
0x66: {  	_ =	shalt  }
0x67: {  	_ =	shalt  }
0x68: {  	_ =	shalt  }
0x69: {  	_ =	shalt  }
0x6a: {  	_ =	shalt  }
0x6b: {  	_ =	shalt  }
0x6c: {  	_ =	shalt  }
0x6d: {  	_ =	shalt  }
0x6e: {  	_ =	shalt  }
0x6f: {  	_ =	shalt  }
0x70: {  	_ =	shalt  }
0x71: {  	_ =	shalt  }
0x72: {  	_ =	shalt  }
0x73: {  	_ =	shalt  }
0x74: {  	_ =	shalt  }
0x75: {  	_ =	shalt  }
0x76: {  	_ =	shalt  }
0x77: {  	_ =	shalt  }
0x78: {  	_ =	shalt  }
0x79: {  	_ =	shalt  }
0x7a: {  	_ =	shalt  }
0x7b: {  	_ =	shalt  }
0x7c: {  	_ =	shalt  }
0x7d: {  	_ =	shalt  }
0x7e: {  	_ =	shalt  }
0x7f: {  	_ =	shalt  }
0x80: {  	_ =	shalt  }
0x81: {  	_ =	shalt  }
0x82: {  	_ =	shalt  }
0x83: {  	_ =	shalt  }
0x84: {  	_ =	shalt  }
0x85: {  	_ =	shalt  }
0x86: {  	_ =	shalt  }
0x87: {  	_ =	shalt  }
.Lfunc_end0:
.L_simem_size_0:
called_computation_lowered:
.L_overlay_start_0:
0x88: {  	s2 =	sld [smem:$0x3FD9]  }
0x89: {  	s3 =	sld [smem:$0x3FFE];
	_ =	sdelay $0x1  }
0x8a: {  	s1 =	srdreg.scid  }
0x8b: {  	s0 =	sand.u32 $0x1, s1  }
0x8c: {  	s16 =	sshll.u32 s0, $0xA;
	s2 =	sadd.s32 s3, s2  }
0x8d: {  	s2 =	sadd.s32 s2, s16  }
0x8e: {  	[smem:$0x3FC2] =	sst s2  }
0x8f: {  	_ = 	snop  }
0x90: {  	(tm) =	ssettm $0x1  }
0x91: {  	s17 =	sld [smem:$0x3FFB];
	_ =	sdelay $0x3  }
0x92: {  	_ =	strace s17  }
0x93: {  	s2 =	sld [smem:$0x3FFC];
	_ =	sdelay $0x3  }
0x94: {  	_ =	strace s2  }
0x95: {  	s2 =	sld [smem:$0x3FFD];
	_ =	sdelay $0x3  }
0x96: {  	_ =	strace s2  }
0x97: {  	_ =	strace $0x8FFFFFFF  }
0x98: {  	s18 =	sld [smem:$0x3FDB];
	_ =	sdelay $0x1  }
0x99: {  	s19 =	simm.s32 $_scs_section_size  }
0x9a: {  	s4 =	simm.s32 $_size__tile_overlayer_lowered;
	s5 =	simm.s32 $_tile_overlayer_lowered  }
0x9b: {  	s22 =	simm.s32 $0x1BFF;
	s21 =	sshll.u32 s5, $0x1;
	s2 =	sadd.s32 s19, s18  }
0x9c: {  	s6 =	simm.s32 $0x0;
	s20 =	sshll.u32 s4, $0x1;
	s4 =	sadd.s32 s21, s2  }
0x9d: {  	[timem:s6], [sflag:s22] =	dma.local [hbm:s4], s20  }
0x9e: {  	_ =	swait.ge [sflag:s22], s20  }
0x9f: {  	s3 =	ssub.s32 $0x0, s20;
	[sflag:s22] =	ssyncset.done $0x0  }
0xa0: {  	[sflag:s22] =	ssyncadd.s32 s3;
	_ =	sdelay $0x1  }
0xa1: {  	s23 =	simm.s32 $0x1B8B  }
0xa2: {  	_ =	swait.ge [sflag:s23], $0x1  }
0xa3: {  	[sflag:s23] =	ssyncset.done $0x0  }
0xa4: {  	s25 =	simm.s32 $0x1B8E;
	s24 =	sld [smem:$0x3FFE];
	[sflag:s23] =	ssyncadd.s32 $0xFFFFFFFF  }
0xa5: {  	s26 =	simm.s32 $execute0_lowered;
	[smem:$0x3FD2] =	sst s25  }
0xa6: {  	s4 =	sshll.u32 s26, $0x1;
	_ =	strace $0x80000046;
	[dreg:$0x1] =	wrdreg $0xFFFFFFFF  }
0xa7: {  	s28 =	simm.s32 $_size_execute0_lowered;
	s2 =	sadd.s32 s2, s4;
	[dreg:$0x0] =	wrdreg $0x0  }
0xa8: {  	s4 =	sshll.u32 s28, $0x1;
	[dreg:$0x2] =	wrdreg s2  }
0xa9: {  	[dreg:$0x3] =	wrdreg s4  }
0xaa: {  	[dreg:$0x4] =	wrdreg $0xC0  }
0xab: {  	_ =	task [dreg:s6], $0x5FFFF  }
0xac: {  	[dreg:$0x1] =	wrdreg $0xFFFFFFFF  }
0xad: {  	[dreg:$0x0] =	wrdreg $0x60  }
0xae: {  	[dreg:$0x2] =	wrdreg s24  }
0xaf: {  	[dreg:$0x3] =	wrdreg $0x0  }
0xb0: {  	[dreg:$0x4] =	wrdreg $0x9  }
0xb1: {  	_ =	task.clear_ibuf [dreg:s6], $0x5FFFF;
	_ =	strace $0x90000046  }
0xb2: {  	s29 =	simm.s32 $0x9;
	_ =	strace $0x80000048  }
0xb3: {  	_ =	swait.ge [sflag:s29], $0x1  }
0xb4: {  	[sflag:s29] =	ssyncadd.s32 $0xFFFFFFFF  }
0xb5: {  	_ =	strace $0x90000048  }
0xb6: {  	_ =	sfence  }
0xb7: {  	s30 =	sld [smem:$0x0];
	_ =	sdelay $0x2  }
0xb8: {  	s31 =	sshll.u32 s1, $0xD;
	s1 =	sshrl.u32 s1, $0x2  }
0xb9: {  	s3 =	sand.u32 $0x4000, s31;
	s1 =	sadd.s32 s1, s30  }
0xba: {  	s0 =	sor.u32 s3, s0;
	s1 =	sshll.u32 s1, $0x11  }
0xbb: {  	s0 =	sor.u32 s1, s0  }
0xbc: {  	s0 =	sadd.s32 $0x8F2B, s0  }
0xbd: {  	[sflag:s0] =	ssyncadd.remote.s32 $0x1  }
0xbe: {  	_ =	sfence.sel $0xFFFF  }
0xbf: {  	[dreg:$0x0] =	wrdreg $0xFFFFFFFF;
	(pc) =	sbr.abs _section_cstart, $3  }
0xc0: {  	[dreg:$0x1] =	wrdreg $0xFFFFFFFF  }
0xc1: {  	_ =	task.clear_ibuf [dreg:s6], $0x2FFFF;
	_ =	strace $0x9FFFFFFF  }
0xc2: {  	(tm) =	ssettm $0x7FFFFFFF  }
0xc3: {  	_ =	shalt  }
tec
execute0_lowered:
.L_overlay_start_1:
0x0: {  	(tag) =	ssettag $0x1  }
0x1: {  	s0 =	srdreg.scid  }
0x2: {  	s12 =	sand.u32 $0x1, s0  }
0x3: {  	s17 =	stileid.u32;
	s0 =	sshll.u32 s12, $0x4  }
0x4: {  	s9 =	sand.u32 $0x7, s17;
	s1 =	sor.u32 s17, s0  }
0x5: {  	p1 =	sne.s32 s9, $0x0;
	p0 =	seq.s32 s1, $0x0  }
0x6: {  	p0 =	por !p1, !p0  }
0x7: {  	s3 =	simm.s32 $0x1;
	p0 =	por !p0, !p0  }
0x8: {  	s1 =	sshrl.u32 s1, $0x3;
	s3 =	simm.s32 @!p0 $0x0  }
0x9: {  	s10 =	ssub.s32 s1, s3  }
0xa: {  	s2 =	rddreg [dreg:$0x1];
	s13 =	sshll.u32 s9, $0xE;
	s4 =	sshll.u32 s10, $0xC  }
0xb: {  	s11 =	simm.s32 $0x0;
	s0 =	rddreg [dreg:$0x0];
	s14 =	sadd.s32 s13, s4  }
0xc: {  	s1 =	sadd.s32 $0xC00, s0;
	s3 =	sadd.s32 $0xC10, s0;
	s5 =	sshrl.u32 s14, $0x3  }
0xd: {  	[smem:$0x7FF] =	sst s11;
	s14 =	sadd.s32 s1, s5;
	s5 =	sadd.s32 s5, s3  }
0xe: {  	_ =	strace $0x80000047;
	[dreg:$0x4] =	wrdreg s5  }
0xf: {  	s15 =	sadd.s32 $0x20, s14;
	[smem:$0x7F0] =	sst s14  }
0x10: {  	s16 =	sadd.s32 $0x30, s14;
	[dreg:$0x5] =	wrdreg s15  }
0x11: {  	s18 =	sadd.s32 $0x40, s14;
	[dreg:$0x6] =	wrdreg s16  }
0x12: {  	s19 =	sadd.s32 $0x50, s14;
	[dreg:$0x7] =	wrdreg s18  }
0x13: {  	s20 =	sadd.s32 $0x60, s14;
	[dreg:$0x8] =	wrdreg s19  }
0x14: {  	s21 =	sadd.s32 $0x70, s14;
	[dreg:$0x9] =	wrdreg s20  }
0x15: {  	s22 =	sadd.s32 $0x100, s14;
	[dreg:$0xa] =	wrdreg s21  }
0x16: {  	s23 =	sadd.s32 $0x110, s14;
	[dreg:$0xb] =	wrdreg s22  }
0x17: {  	s24 =	sadd.s32 $0x120, s14;
	[dreg:$0xc] =	wrdreg s23  }
0x18: {  	s6 =	simm.s32 $0x400;
	[dreg:$0xd] =	wrdreg s24  }
0x19: {  	s5 =	simm.s32 $0x80;
	s16 =	simm.s32 $0x4800;
	s11 =	rddreg [dreg:$0x4]  }
0x1a: {  	[tilespmem:s16], [sflag:$0x5] =	stream.strided.gather [hbm4b:s14+s5], $0x100, s6, s5, $0x38;
	[tilespmem:$0x15800] =	vst v63  }
0x1b: {  	s13 =	rddreg [dreg:$0x5]  }
0x1c: {  	s25 =	rddreg [dreg:$0x6]  }
0x1d: {  	s9 =	sshll.u32 s9, $0xA;
	s10 =	sshll.u32 s10, $0x16;
	s26 =	rddreg [dreg:$0x7]  }
0x1e: {  	s9 =	sor.u32 s9, s10;
	s23 =	simm.s32 $0x4900;
	s29 =	rddreg [dreg:$0x8]  }
0x1f: {  	[tilespmem:s23], [sflag:$0x5] =	stream.strided.gather [hbm4b:s11+s5], $0x100, s6, s5, $0x38;
	[tilespmem:$0x15800] =	vst v63  }
0x20: {  	s9 =	sshrl.u32 s9, $0x3;
	s15 =	simm.s32 $0x4A00;
	s7 =	rddreg [dreg:$0x9]  }
0x21: {  	[tilespmem:s15], [sflag:$0x5] =	stream.strided.gather [hbm4b:s13+s5], $0x100, s6, s5, $0x38;
	[tilespmem:$0x15800] =	vst v63  }
0x22: {  	s9 =	sadd.s32 s9, s0;
	s18 =	simm.s32 $0x4B00;
	s8 =	rddreg [dreg:$0xa]  }
0x23: {  	[tilespmem:s18], [sflag:$0x5] =	stream.strided.gather [hbm4b:s25+s5], $0x100, s6, s5, $0x38;
	[tilespmem:$0x15800] =	vst v63  }
0x24: {  	s20 =	simm.s32 $0x4C00;
	s19 =	rddreg [dreg:$0xb];
	s13 =	sadd.s32 $0x5400, s9  }
0x25: {  	[tilespmem:s20], [sflag:$0x5] =	stream.strided.gather [hbm4b:s26+s5], $0x100, s6, s5, $0x38;
	[tilespmem:$0x15800] =	vst v63  }
0x26: {  	s21 =	simm.s32 $0x4D00;
	[dreg:$0x14] =	wrdreg s13  }
0x27: {  	[tilespmem:s21], [sflag:$0x5] =	stream.strided.gather [hbm4b:s29+s5], $0x100, s6, s5, $0x38;
	[tilespmem:$0x15800] =	vst v63  }
0x28: {  	s22 =	simm.s32 $0x4E00;
	s13 =	sadd.s32 $0x35400, s9;
	s25 =	rddreg [dreg:$0xc]  }
0x29: {  	[tilespmem:s22], [sflag:$0x5] =	stream.strided.gather [hbm4b:s7+s5], $0x100, s6, s5, $0x38;
	[tilespmem:$0x15800] =	vst v63  }
0x2a: {  	s24 =	simm.s32 $0x4F00;
	[dreg:$0x1a] =	wrdreg s13  }
0x2b: {  	[tilespmem:s24], [sflag:$0x5] =	stream.strided.gather [hbm4b:s8+s5], $0x100, s6, s5, $0x38;
	[tilespmem:$0x15800] =	vst v63  }
0x2c: {  	s7 =	rddreg [dreg:$0xd];
	s8 =	sadd.s32 $0x130, s14  }
0x2d: {  	s26 =	simm.s32 $0x5000;
	[dreg:$0xe] =	wrdreg s8  }
0x2e: {  	[tilespmem:s26], [sflag:$0x5] =	stream.strided.gather [hbm4b:s19+s5], $0x100, s6, s5, $0x38;
	[tilespmem:$0x15800] =	vst v63  }
0x2f: {  	s8 =	sadd.s32 $0x150, s14;
	s11 =	rddreg [dreg:$0xe]  }
0x30: {  	s19 =	sadd.s32 $0x140, s14;
	[dreg:$0x10] =	wrdreg s8  }
0x31: {  	s29 =	simm.s32 $0x5100;
	s8 =	sadd.s32 $0x160, s14;
	[dreg:$0xf] =	wrdreg s19  }
0x32: {  	[tilespmem:s29], [sflag:$0x5] =	stream.strided.gather [hbm4b:s25+s5], $0x100, s6, s5, $0x38;
	[tilespmem:$0x15800] =	vst v63  }
0x33: {  	[dreg:$0x11] =	wrdreg s8;
	s8 =	sadd.s32 $0x205400, s0;
	s25 =	simm.s32 $0x5200  }
0x34: {  	[tilespmem:s25], [sflag:$0x5] =	stream.strided.gather [hbm4b:s7+s5], $0x100, s6, s5, $0x38;
	[tilespmem:$0x15800] =	vst v63  }
0x35: {  	[dreg:$0x3] =	wrdreg s8;
	s8 =	sshll.u32 s17, $0xF;
	s7 =	simm.s32 $0x5300  }
0x36: {  	[tilespmem:s7], [sflag:$0x5] =	stream.strided.gather [hbm4b:s11+s5], $0x100, s6, s5, $0x38;
	[tilespmem:$0x15800] =	vst v63  }
0x37: {  	s7 =	rddreg [dreg:$0xf];
	s11 =	sadd.s32 s8, s2  }
0x38: {  	s8 =	sadd.s32 $0x25400, s9;
	[dreg:$0x13] =	wrdreg s11  }
0x39: {  	s19 =	simm.s32 $0x5400;
	[dreg:$0x18] =	wrdreg s8  }
0x3a: {  	[tilespmem:s19], [sflag:$0x5] =	stream.strided.gather [hbm4b:s7+s5], $0x100, s6, s5, $0x38;
	[tilespmem:$0x15800] =	vst v63  }
0x3b: {  	s11 =	sadd.s32 $0x2D400, s9;
	s7 =	rddreg [dreg:$0x10]  }
0x3c: {  	s8 =	sadd.s32 $0x55400, s9;
	[dreg:$0x19] =	wrdreg s11  }
0x3d: {  	[dreg:$0x1e] =	wrdreg s8;
	s11 =	sadd.s32 $0x5D400, s9  }
0x3e: {  	s19 =	simm.s32 $0x5500;
	[dreg:$0x1f] =	wrdreg s11  }
0x3f: {  	[tilespmem:s19], [sflag:$0x5] =	stream.strided.gather [hbm4b:s7+s5], $0x100, s6, s5, $0x38;
	[tilespmem:$0x15800] =	vst v63  }
0x40: {  	s8 =	sadd.s32 $0x75400, s9;
	s7 =	rddreg [dreg:$0x11];
	s19 =	simm.s32 $0x5600  }
0x41: {  	[tilespmem:s19], [sflag:$0x5] =	stream.strided.gather [hbm4b:s7+s5], $0x100, s6, s5, $0x38;
	[tilespmem:$0x15800] =	vst v63  }
0x42: {  	[smem:$0x7F5] =	sst s8;
	s7 =	sadd.s32 $0x170, s14  }
0x43: {  	p0 =	sgt.u32 s17, $0x7;
	s14 =	sadd.s32 $0xD400, s9;
	[dreg:$0x12] =	wrdreg s7  }
0x44: {  	p2 =	sne.s32 @!p0 s17, $0x0;
	s19 =	sadd.s32 $0x15400, s9;
	[dreg:$0x15] =	wrdreg s14  }
0x45: {  	s13 =	sshll.u32 s17, $0x9;
	[dreg:$0x16] =	wrdreg s19;
	s7 =	sadd.s32 $0x1D400, s9  }
0x46: {  	s10 =	sand.u32 $0x800, s13;
	s14 =	sadd.s32 $0x3D400, s9;
	[dreg:$0x17] =	wrdreg s7  }
0x47: {  	s8 =	sshll.u32 s12, $0xC;
	s19 =	sadd.s32 $0x45400, s9;
	[dreg:$0x1b] =	wrdreg s14  }
0x48: {  	[dreg:$0x1c] =	wrdreg s19;
	s7 =	sadd.s32 $0x4D400, s9;
	s14 =	sshll.u32 s17, $0x8  }
0x49: {  	s19 =	sadd.s32 $0x65400, s9;
	[dreg:$0x1d] =	wrdreg s7;
	s11 =	sand.u32 $0x300, s14  }
0x4a: {  	[smem:$0x7F3] =	sst s19;
	s7 =	sadd.s32 $0x6D400, s9;
	s10 =	sor.u32 s11, s10  }
0x4b: {  	s19 =	simm.s32 $0x5700;
	s11 =	rddreg [dreg:$0x12];
	s4 =	sor.u32 s10, s4  }
0x4c: {  	[tilespmem:s19], [sflag:$0x5] =	stream.strided.gather [hbm4b:s11+s5], $0x100, s6, s5, $0x38;
	[tilespmem:$0x15800] =	vst v63  }
0x4d: {  	s9 =	sadd.s32 $0x7D400, s9;
	s14 =	sadd.s32 $0x207400, s0;
	s4 =	sadd.s32 $0x20000, s4  }
0x4e: {  	s0 =	sadd.s32 $0x206400, s0;
	[smem:$0x7F4] =	sst s7;
	s4 =	sshrl.u32 s4, $0x3  }
0x4f: {  	[smem:$0x7F6] =	sst s9;
	s7 =	sshll.u32 s12, $0xF;
	s1 =	sadd.s32 s1, s4  }
0x50: {  	s13 =	sadd.s32 s4, s3;
	s4 =	sshll.u32 s17, $0xC;
	[smem:$0x7F7] =	sst s1  }
0x51: {  	[smem:$0x7F8] =	sst s13;
	s3 =	sadd.s32 s14, s4;
	s1 =	sadd.s32 s8, s14  }
0x52: {  	s4 =	rddreg [dreg:$0x13];
	s8 =	simm.s32 @!p0 $0x6;
	s1 =	sadd.s32 $0x10000, s1  }
0x53: {  	s3 =	sadd.s32 s7, s3;
	[smem:$0x7FB] =	sst s1;
	s1 =	sshll.u32 @!p0 s17, $0x6  }
0x54: {  	s14 =	sshrl.u32 @!p0 s4, $0x3;
	[smem:$0x7F9] =	sst s3;
	s7 =	sor.u32 @!p0 $0x1C06, s1  }
0x55: {  	[spmem:s14], [sflag:s7] =	dma.local @!p0 [hbm:s0], $0x1000  }
0x56: {  	p1 =	por p2, p0;
	s13 =	sadd.s32 $0x40000, s2;
	_ =	swait.ge @!p0 [sflag:s8], $0x1000  }
0x57: {  	s1 =	sshrl.u32 @!p1 s13, $0x3;
	[sflag:s8] =	ssyncset.done @!p0 $0x0;
	[smem:$0x7F1] =	sst s0  }
0x58: {  	s3 =	simm.s32 @!p1 $0x1C06;
	[smem:$0x7F2] =	sst s1;
	[sflag:s8] =	ssyncadd.s32 @!p0 $0xFFFFF000  }
0x59: {  	[spmem:s1], [sflag:s3] =	dma.local @!p1 [hbm:s0], $0x1000  }
0x5a: {  	s0 =	simm.s32 @!p1 $0x6  }
0x5b: {  	_ =	swait.ge @!p1 [sflag:s0], $0x1000  }
0x5c: {  	[sflag:s0] =	ssyncset.done @!p1 $0x0  }
0x5d: {  	s30 =	simm.s32 $0x5;
	[sflag:s0] =	ssyncadd.s32 @!p1 $0xFFFFF000  }
0x5e: {  	_ =	swait.ge [sflag:s30], $0x100  }
0x5f: {  	[sflag:s30] =	ssyncset.done $0x0  }
0x60: {  	[sflag:s30] =	ssyncadd.s32 $0xFFFFFF00  }
0x61: {  	_ =	swait.ge [sflag:s30], $0x100  }
0x62: {  	[sflag:s30] =	ssyncset.done $0x0  }
0x63: {  	[sflag:s30] =	ssyncadd.s32 $0xFFFFFF00  }
0x64: {  	_ =	swait.ge [sflag:s30], $0x100  }
0x65: {  	[sflag:s30] =	ssyncset.done $0x0  }
0x66: {  	[sflag:s30] =	ssyncadd.s32 $0xFFFFFF00  }
0x67: {  	_ =	swait.ge [sflag:s30], $0x100  }
0x68: {  	[sflag:s30] =	ssyncset.done $0x0  }
0x69: {  	[sflag:s30] =	ssyncadd.s32 $0xFFFFFF00  }
0x6a: {  	_ =	swait.ge [sflag:s30], $0x100  }
0x6b: {  	[sflag:s30] =	ssyncset.done $0x0  }
0x6c: {  	[sflag:s30] =	ssyncadd.s32 $0xFFFFFF00  }
0x6d: {  	_ =	swait.ge [sflag:s30], $0x100  }
0x6e: {  	[sflag:s30] =	ssyncset.done $0x0  }
0x6f: {  	[sflag:s30] =	ssyncadd.s32 $0xFFFFFF00  }
0x70: {  	_ =	swait.ge [sflag:s30], $0x100  }
0x71: {  	[sflag:s30] =	ssyncset.done $0x0  }
0x72: {  	[sflag:s30] =	ssyncadd.s32 $0xFFFFFF00  }
0x73: {  	_ =	swait.ge [sflag:s30], $0x100  }
0x74: {  	[sflag:s30] =	ssyncset.done $0x0  }
0x75: {  	[sflag:s30] =	ssyncadd.s32 $0xFFFFFF00  }
0x76: {  	_ =	swait.ge [sflag:s30], $0x100  }
0x77: {  	[sflag:s30] =	ssyncset.done $0x0  }
0x78: {  	[sflag:s30] =	ssyncadd.s32 $0xFFFFFF00  }
0x79: {  	_ =	swait.ge [sflag:s30], $0x100  }
0x7a: {  	[sflag:s30] =	ssyncset.done $0x0  }
0x7b: {  	[sflag:s30] =	ssyncadd.s32 $0xFFFFFF00  }
0x7c: {  	_ =	swait.ge [sflag:s30], $0x100  }
0x7d: {  	[sflag:s30] =	ssyncset.done $0x0  }
0x7e: {  	[sflag:s30] =	ssyncadd.s32 $0xFFFFFF00  }
0x7f: {  	_ =	swait.ge [sflag:s30], $0x100  }
0x80: {  	[sflag:s30] =	ssyncset.done $0x0  }
0x81: {  	[sflag:s30] =	ssyncadd.s32 $0xFFFFFF00  }
0x82: {  	_ =	swait.ge [sflag:s30], $0x100  }
0x83: {  	[sflag:s30] =	ssyncset.done $0x0  }
0x84: {  	[sflag:s30] =	ssyncadd.s32 $0xFFFFFF00  }
0x85: {  	_ =	swait.ge [sflag:s30], $0x100  }
0x86: {  	[sflag:s30] =	ssyncset.done $0x0  }
0x87: {  	[sflag:s30] =	ssyncadd.s32 $0xFFFFFF00  }
0x88: {  	_ =	swait.ge [sflag:s30], $0x100  }
0x89: {  	[sflag:s30] =	ssyncset.done $0x0  }
0x8a: {  	[sflag:s30] =	ssyncadd.s32 $0xFFFFFF00  }
0x8b: {  	_ =	swait.ge [sflag:s30], $0x100  }
0x8c: {  	[sflag:s30] =	ssyncset.done $0x0  }
0x8d: {  	[sflag:s30] =	ssyncadd.s32 $0xFFFFFF00  }
0x8e: {  	s31 =	simm.s32 $0x2000;
	[bflag:$0x0] =	sbarrier.arrive $0xFFFF  }
0x8f: {  	s1 =	simm.s32 $0x5800;
	s0 =	simm.s32 $0x1;
	s9 =	rddreg [dreg:$0x14]  }
0x90: {  	[tilespmem:s1], [sflag:$0x1] =	stream.strided.gather [hbm4b:s9+s6], $0x8000, s31, s6, $0x38;
	[tilespmem:$0x15800] =	vst v63  }
0x91: {  	_ =	swait.ge [sflag:s0], $0x8000  }
0x92: {  	[sflag:s0] =	ssyncset.done $0x0  }
0x93: {  	s3 =	simm.s32 $0xD800;
	s10 =	rddreg [dreg:$0x15];
	[sflag:s0] =	ssyncadd.s32 $0xFFFF8000  }
0x94: {  	[tilespmem:s3], [sflag:$0x2] =	stream.strided.gather [hbm4b:s10+s6], $0x8000, s31, s6, $0x38;
	[tilespmem:$0x15800] =	vst v63  }
0x95: {  	s28 =	simm.s32 $0x100;
	s4 =	simm.s32 $0x2  }
0x96: {  	[spmem:s2] =	stream.indirect.scatter.add.f32 [tilespmem:s1], [sflag:$0x3], $0x80, s16, s28, $0xb8;
	[tilespmem:$0x15800] =	vst v63  }
0x97: {  	_ =	swait.ge [sflag:s4], $0x8000  }
0x98: {  	[sflag:s4] =	ssyncset.done $0x0  }
0x99: {  	s9 =	simm.s32 $0x3;
	[sflag:s4] =	ssyncadd.s32 $0xFFFF8000  }
0x9a: {  	_ =	swait.ge [sflag:s9], $0x8000  }
0x9b: {  	[sflag:s9] =	ssyncset.done $0x0  }
0x9c: {  	s11 =	rddreg [dreg:$0x16];
	[sflag:s9] =	ssyncadd.s32 $0xFFFF8000  }
0x9d: {  	[tilespmem:s1], [sflag:$0x1] =	stream.strided.gather [hbm4b:s11+s6], $0x8000, s31, s6, $0x38;
	[tilespmem:$0x15800] =	vst v63  }
0x9e: {  	_ = 	snop  }
0x9f: {  	[spmem:s2] =	stream.indirect.scatter.add.f32 [tilespmem:s3], [sflag:$0x4], $0x80, s23, s28, $0xb8;
	[tilespmem:$0x15800] =	vst v63  }
0xa0: {  	_ =	swait.ge [sflag:s0], $0x8000  }
0xa1: {  	[sflag:s0] =	ssyncset.done $0x0  }
0xa2: {  	s10 =	simm.s32 $0x4;
	[sflag:s0] =	ssyncadd.s32 $0xFFFF8000  }
0xa3: {  	_ =	swait.ge [sflag:s10], $0x8000  }
0xa4: {  	[sflag:s10] =	ssyncset.done $0x0  }
0xa5: {  	s11 =	rddreg [dreg:$0x17];
	[sflag:s10] =	ssyncadd.s32 $0xFFFF8000  }
0xa6: {  	[tilespmem:s3], [sflag:$0x2] =	stream.strided.gather [hbm4b:s11+s6], $0x8000, s31, s6, $0x38;
	[tilespmem:$0x15800] =	vst v63  }
0xa7: {  	_ = 	snop  }
0xa8: {  	[spmem:s2] =	stream.indirect.scatter.add.f32 [tilespmem:s1], [sflag:$0x3], $0x80, s15, s28, $0xb8;
	[tilespmem:$0x15800] =	vst v63  }
0xa9: {  	_ =	swait.ge [sflag:s4], $0x8000  }
0xaa: {  	[sflag:s4] =	ssyncset.done $0x0  }
0xab: {  	[sflag:s4] =	ssyncadd.s32 $0xFFFF8000  }
0xac: {  	_ =	swait.ge [sflag:s9], $0x8000  }
0xad: {  	[sflag:s9] =	ssyncset.done $0x0  }
0xae: {  	s15 =	rddreg [dreg:$0x18];
	[sflag:s9] =	ssyncadd.s32 $0xFFFF8000  }
0xaf: {  	[tilespmem:s1], [sflag:$0x1] =	stream.strided.gather [hbm4b:s15+s6], $0x8000, s31, s6, $0x38;
	[tilespmem:$0x15800] =	vst v63  }
0xb0: {  	_ = 	snop  }
0xb1: {  	[spmem:s2] =	stream.indirect.scatter.add.f32 [tilespmem:s3], [sflag:$0x4], $0x80, s18, s28, $0xb8;
	[tilespmem:$0x15800] =	vst v63  }
0xb2: {  	_ =	swait.ge [sflag:s0], $0x8000  }
0xb3: {  	[sflag:s0] =	ssyncset.done $0x0  }
0xb4: {  	[sflag:s0] =	ssyncadd.s32 $0xFFFF8000  }
0xb5: {  	_ =	swait.ge [sflag:s10], $0x8000  }
0xb6: {  	[sflag:s10] =	ssyncset.done $0x0  }
0xb7: {  	s18 =	rddreg [dreg:$0x19];
	[sflag:s10] =	ssyncadd.s32 $0xFFFF8000  }
0xb8: {  	[tilespmem:s3], [sflag:$0x2] =	stream.strided.gather [hbm4b:s18+s6], $0x8000, s31, s6, $0x38;
	[tilespmem:$0x15800] =	vst v63  }
0xb9: {  	_ = 	snop  }
0xba: {  	[spmem:s2] =	stream.indirect.scatter.add.f32 [tilespmem:s1], [sflag:$0x3], $0x80, s20, s28, $0xb8;
	[tilespmem:$0x15800] =	vst v63  }
0xbb: {  	_ =	swait.ge [sflag:s4], $0x8000  }
0xbc: {  	[sflag:s4] =	ssyncset.done $0x0  }
0xbd: {  	[sflag:s4] =	ssyncadd.s32 $0xFFFF8000  }
0xbe: {  	_ =	swait.ge [sflag:s9], $0x8000  }
0xbf: {  	[sflag:s9] =	ssyncset.done $0x0  }
0xc0: {  	s20 =	rddreg [dreg:$0x1a];
	[sflag:s9] =	ssyncadd.s32 $0xFFFF8000  }
0xc1: {  	[tilespmem:s1], [sflag:$0x1] =	stream.strided.gather [hbm4b:s20+s6], $0x8000, s31, s6, $0x38;
	[tilespmem:$0x15800] =	vst v63  }
0xc2: {  	_ = 	snop  }
0xc3: {  	[spmem:s2] =	stream.indirect.scatter.add.f32 [tilespmem:s3], [sflag:$0x4], $0x80, s21, s28, $0xb8;
	[tilespmem:$0x15800] =	vst v63  }
0xc4: {  	_ =	swait.ge [sflag:s0], $0x8000  }
0xc5: {  	[sflag:s0] =	ssyncset.done $0x0  }
0xc6: {  	[sflag:s0] =	ssyncadd.s32 $0xFFFF8000  }
0xc7: {  	_ =	swait.ge [sflag:s10], $0x8000  }
0xc8: {  	[sflag:s10] =	ssyncset.done $0x0  }
0xc9: {  	s21 =	rddreg [dreg:$0x1b];
	[sflag:s10] =	ssyncadd.s32 $0xFFFF8000  }
0xca: {  	[tilespmem:s3], [sflag:$0x2] =	stream.strided.gather [hbm4b:s21+s6], $0x8000, s31, s6, $0x38;
	[tilespmem:$0x15800] =	vst v63  }
0xcb: {  	_ = 	snop  }
0xcc: {  	[spmem:s2] =	stream.indirect.scatter.add.f32 [tilespmem:s1], [sflag:$0x3], $0x80, s22, s28, $0xb8;
	[tilespmem:$0x15800] =	vst v63  }
0xcd: {  	_ =	swait.ge [sflag:s4], $0x8000  }
0xce: {  	[sflag:s4] =	ssyncset.done $0x0  }
0xcf: {  	[sflag:s4] =	ssyncadd.s32 $0xFFFF8000  }
0xd0: {  	_ =	swait.ge [sflag:s9], $0x8000  }
0xd1: {  	[sflag:s9] =	ssyncset.done $0x0  }
0xd2: {  	s22 =	rddreg [dreg:$0x1c];
	[sflag:s9] =	ssyncadd.s32 $0xFFFF8000  }
0xd3: {  	[tilespmem:s1], [sflag:$0x1] =	stream.strided.gather [hbm4b:s22+s6], $0x8000, s31, s6, $0x38;
	[tilespmem:$0x15800] =	vst v63  }
0xd4: {  	_ = 	snop  }
0xd5: {  	[spmem:s2] =	stream.indirect.scatter.add.f32 [tilespmem:s3], [sflag:$0x4], $0x80, s24, s28, $0xb8;
	[tilespmem:$0x15800] =	vst v63  }
0xd6: {  	_ =	swait.ge [sflag:s0], $0x8000  }
0xd7: {  	[sflag:s0] =	ssyncset.done $0x0  }
0xd8: {  	[sflag:s0] =	ssyncadd.s32 $0xFFFF8000  }
0xd9: {  	_ =	swait.ge [sflag:s10], $0x8000  }
0xda: {  	[sflag:s10] =	ssyncset.done $0x0  }
0xdb: {  	s15 =	rddreg [dreg:$0x1d];
	[sflag:s10] =	ssyncadd.s32 $0xFFFF8000  }
0xdc: {  	[tilespmem:s3], [sflag:$0x2] =	stream.strided.gather [hbm4b:s15+s6], $0x8000, s31, s6, $0x38;
	[tilespmem:$0x15800] =	vst v63  }
0xdd: {  	_ = 	snop  }
0xde: {  	[spmem:s2] =	stream.indirect.scatter.add.f32 [tilespmem:s1], [sflag:$0x3], $0x80, s26, s28, $0xb8;
	[tilespmem:$0x15800] =	vst v63  }
0xdf: {  	_ =	swait.ge [sflag:s4], $0x8000  }
0xe0: {  	[sflag:s4] =	ssyncset.done $0x0  }
0xe1: {  	[sflag:s4] =	ssyncadd.s32 $0xFFFF8000  }
0xe2: {  	_ =	swait.ge [sflag:s9], $0x8000  }
0xe3: {  	[sflag:s9] =	ssyncset.done $0x0  }
0xe4: {  	s18 =	rddreg [dreg:$0x1e];
	[sflag:s9] =	ssyncadd.s32 $0xFFFF8000  }
0xe5: {  	[tilespmem:s1], [sflag:$0x1] =	stream.strided.gather [hbm4b:s18+s6], $0x8000, s31, s6, $0x38;
	[tilespmem:$0x15800] =	vst v63  }
0xe6: {  	_ = 	snop  }
0xe7: {  	[spmem:s2] =	stream.indirect.scatter.add.f32 [tilespmem:s3], [sflag:$0x4], $0x80, s29, s28, $0xb8;
	[tilespmem:$0x15800] =	vst v63  }
0xe8: {  	_ =	swait.ge [sflag:s0], $0x8000  }
0xe9: {  	[sflag:s0] =	ssyncset.done $0x0  }
0xea: {  	[sflag:s0] =	ssyncadd.s32 $0xFFFF8000  }
0xeb: {  	_ =	swait.ge [sflag:s10], $0x8000  }
0xec: {  	[sflag:s10] =	ssyncset.done $0x0  }
0xed: {  	s20 =	rddreg [dreg:$0x1f];
	[sflag:s10] =	ssyncadd.s32 $0xFFFF8000  }
0xee: {  	[tilespmem:s3], [sflag:$0x2] =	stream.strided.gather [hbm4b:s20+s6], $0x8000, s31, s6, $0x38;
	[tilespmem:$0x15800] =	vst v63  }
0xef: {  	_ = 	snop  }
0xf0: {  	[spmem:s2] =	stream.indirect.scatter.add.f32 [tilespmem:s1], [sflag:$0x3], $0x80, s25, s28, $0xb8;
	[tilespmem:$0x15800] =	vst v63  }
0xf1: {  	_ =	swait.ge [sflag:s4], $0x8000  }
0xf2: {  	[sflag:s4] =	ssyncset.done $0x0  }
0xf3: {  	[sflag:s4] =	ssyncadd.s32 $0xFFFF8000  }
0xf4: {  	_ =	swait.ge [sflag:s9], $0x8000  }
0xf5: {  	s21 =	sld [smem:$0x7F3]  }
0xf6: {  	[sflag:s9] =	ssyncset.done $0x0  }
0xf7: {  	[sflag:s9] =	ssyncadd.s32 $0xFFFF8000  }
0xf8: {  	[tilespmem:s1], [sflag:$0x1] =	stream.strided.gather [hbm4b:s21+s6], $0x8000, s31, s6, $0x38;
	[tilespmem:$0x15800] =	vst v63  }
0xf9: {  	s22 =	simm.s32 $0x5300  }
0xfa: {  	[spmem:s2] =	stream.indirect.scatter.add.f32 [tilespmem:s3], [sflag:$0x4], $0x80, s22, s28, $0xb8;
	[tilespmem:$0x15800] =	vst v63  }
0xfb: {  	_ =	swait.ge [sflag:s0], $0x8000  }
0xfc: {  	[sflag:s0] =	ssyncset.done $0x0  }
0xfd: {  	[sflag:s0] =	ssyncadd.s32 $0xFFFF8000  }
0xfe: {  	_ =	swait.ge [sflag:s10], $0x8000  }
0xff: {  	s24 =	sld [smem:$0x7F4]  }
0x100: {  	[sflag:s10] =	ssyncset.done $0x0  }
0x101: {  	[sflag:s10] =	ssyncadd.s32 $0xFFFF8000  }
0x102: {  	[tilespmem:s3], [sflag:$0x2] =	stream.strided.gather [hbm4b:s24+s6], $0x8000, s31, s6, $0x38;
	[tilespmem:$0x15800] =	vst v63  }
0x103: {  	s25 =	simm.s32 $0x5400  }
0x104: {  	[spmem:s2] =	stream.indirect.scatter.add.f32 [tilespmem:s1], [sflag:$0x3], $0x80, s25, s28, $0xb8;
	[tilespmem:$0x15800] =	vst v63  }
0x105: {  	_ =	swait.ge [sflag:s4], $0x8000  }
0x106: {  	[sflag:s4] =	ssyncset.done $0x0  }
0x107: {  	[sflag:s4] =	ssyncadd.s32 $0xFFFF8000  }
0x108: {  	_ =	swait.ge [sflag:s9], $0x8000  }
0x109: {  	s26 =	sld [smem:$0x7F5]  }
0x10a: {  	[sflag:s9] =	ssyncset.done $0x0  }
0x10b: {  	[sflag:s9] =	ssyncadd.s32 $0xFFFF8000  }
0x10c: {  	[tilespmem:s1], [sflag:$0x1] =	stream.strided.gather [hbm4b:s26+s6], $0x8000, s31, s6, $0x38;
	[tilespmem:$0x15800] =	vst v63  }
0x10d: {  	s29 =	simm.s32 $0x5500  }
0x10e: {  	[spmem:s2] =	stream.indirect.scatter.add.f32 [tilespmem:s3], [sflag:$0x4], $0x80, s29, s28, $0xb8;
	[tilespmem:$0x15800] =	vst v63  }
0x10f: {  	_ =	swait.ge [sflag:s0], $0x8000  }
0x110: {  	[sflag:s0] =	ssyncset.done $0x0  }
0x111: {  	[sflag:s0] =	ssyncadd.s32 $0xFFFF8000  }
0x112: {  	_ =	swait.ge [sflag:s10], $0x8000  }
0x113: {  	s15 =	sld [smem:$0x7F6]  }
0x114: {  	[sflag:s10] =	ssyncset.done $0x0  }
0x115: {  	[sflag:s10] =	ssyncadd.s32 $0xFFFF8000  }
0x116: {  	[tilespmem:s3], [sflag:$0x2] =	stream.strided.gather [hbm4b:s15+s6], $0x8000, s31, s6, $0x38;
	[tilespmem:$0x15800] =	vst v63  }
0x117: {  	s18 =	simm.s32 $0x5600  }
0x118: {  	[spmem:s2] =	stream.indirect.scatter.add.f32 [tilespmem:s1], [sflag:$0x3], $0x80, s18, s28, $0xb8;
	[tilespmem:$0x15800] =	vst v63  }
0x119: {  	_ =	swait.ge [sflag:s4], $0x8000  }
0x11a: {  	[sflag:s4] =	ssyncset.done $0x0  }
0x11b: {  	[sflag:s4] =	ssyncadd.s32 $0xFFFF8000  }
0x11c: {  	[spmem:s2] =	stream.indirect.scatter.add.f32 [tilespmem:s3], [sflag:$0x4], $0x80, s19, s28, $0xb8;
	[tilespmem:$0x15800] =	vst v63  }
0x11d: {  	_ =	swait.ge [sflag:s9], $0x8000  }
0x11e: {  	[sflag:s9] =	ssyncset.done $0x0  }
0x11f: {  	[sflag:s9] =	ssyncadd.s32 $0xFFFF8000  }
0x120: {  	_ =	swait.ge [sflag:s10], $0x8000  }
0x121: {  	s11 =	simm.s32 $0x6;
	[sflag:s10] =	ssyncset.done $0x0  }
0x122: {  	s21 =	simm.s32 $0x0;
	s20 =	rddreg [dreg:$0x3];
	[sflag:s10] =	ssyncadd.s32 $0xFFFF8000  }
0x123: {  	[tilespmem:s1], [sflag:$0x6] =	stream.linear.gather [hbm4b:s20+s21], $0x8000, $0x38;
	[tilespmem:$0x15800] =	vst v63  }
0x124: {  	_ =	swait.ge [sflag:s11], $0x8000  }
0x125: {  	s22 =	sld [smem:$0x7F7]  }
0x126: {  	[sflag:s11] =	ssyncset.done $0x0  }
0x127: {  	[sflag:s11] =	ssyncadd.s32 $0xFFFF8000  }
0x128: {  	[tilespmem:s16], [sflag:$0x6] =	stream.strided.gather [hbm4b:s22+s5], $0x100, s6, s5, $0x38;
	[tilespmem:$0x15800] =	vst v63  }
0x129: {  	_ =	swait.ge [sflag:s11], $0x100  }
0x12a: {  	[sflag:s11] =	ssyncset.done $0x0  }
0x12b: {  	[sflag:s11] =	ssyncadd.s32 $0xFFFFFF00  }
0x12c: {  	[spmem:s2] =	stream.indirect.scatter.add.f32 [tilespmem:s1], [sflag:$0x6], $0x80, s16, s28, $0xb8;
	[tilespmem:$0x15800] =	vst v63  }
0x12d: {  	_ =	swait.ge [sflag:s11], $0x8000  }
0x12e: {  	s24 =	sld [smem:$0x7F8]  }
0x12f: {  	[sflag:s11] =	ssyncset.done $0x0  }
0x130: {  	[sflag:s11] =	ssyncadd.s32 $0xFFFF8000  }
0x131: {  	[tilespmem:s23], [sflag:$0x6] =	stream.strided.gather [hbm4b:s24+s5], $0x100, s6, s5, $0x38;
	[tilespmem:$0x15800] =	vst v63  }
0x132: {  	_ =	swait.ge [sflag:s11], $0x100  }
0x133: {  	[sflag:s11] =	ssyncset.done $0x0  }
0x134: {  	[sflag:s11] =	ssyncadd.s32 $0xFFFFFF00  }
0x135: {  	[spmem:s2] =	stream.indirect.scatter.add.f32 [tilespmem:s1], [sflag:$0x6], $0x80, s23, s28, $0xb8;
	[tilespmem:$0x15800] =	vst v63  }
0x136: {  	_ =	swait.ge [sflag:s11], $0x8000  }
0x137: {  	[sflag:s11] =	ssyncset.done $0x0  }
0x138: {  	[sflag:s11] =	ssyncadd.s32 $0xFFFF8000  }
0x139: {  	p4 =	por @!p0 $0x0, $0x0;
	[bflag:$0x0] =	sbarrier.arrive $0xFFFF  }
0x13a: {  	p3 =	por !p2, p0;
	p5 =	por @!p1 $0x1, $0x1;
	s15 =	sld [smem:$0x7F9]  }
0x13b: {  	p2 =	por $0x0, $0x0;
	p5 =	por @!p3 p4, p4;
	s12 =	ssub.s32 $0x2, s12  }
0x13c: {  	p2 =	por @!p0 p5, p5;
	s25 =	sshrl.u32 s12, $0x1;
	[smem:$0x7FA] =	sst s7  }
0x13d: {  	[hbm:s15], [sflag:s7] =	dma.local @!p0 [spmem:s14], $0x1000  }
0x13e: {  	s26 =	ssub.s32 s12, s25;
	s12 =	sshll.u32 @p2 s17, $0x6;
	_ =	swait.ge @!p0 [sflag:s8], $0x1000  }
0x13f: {  	s7 =	sor.u32 @p2 $0x1C06, s12;
	s15 =	sld [smem:$0x7FB];
	[sflag:s8] =	ssyncset.done @!p0 $0x0  }
0x140: {  	[smem:$0x7FC] =	sst s7;
	[sflag:s8] =	ssyncadd.s32 @!p0 $0xFFFFF000;
	s8 =	sshrl.u32 @p2 s13, $0x3  }
0x141: {  	s29 =	smax.u32 s26, $0x1;
	[smem:$0x7FD] =	sst s8  }
0x142: {  	[hbm:s15], [sflag:s7] =	dma.local @p2 [spmem:s8], $0x1000  }
0x143: {  	s15 =	sadd.s32 $0xFFFFFFFF, s29  }
0x144: {  	p3 =	sne.s32 s15, $0x0  }
.Ltmp0:
0x145: {  	_ = 	snop;
	(pc) =	sbr.rel @!p3 .LBB2_3-.Ltmp0, $3  }
0x146: {  	_ =	sdelay $0x1  }
0x147: {  	s7 =	simm.s32 @p2 $0x6  }
0x148: {  	_ =	swait.ge @p2 [sflag:s7], $0x1000  }
0x149: {  	s12 =	simm.s32 $0x4800  }
0x14a: {  	s23 =	simm.s32 $0x4900;
	s20 =	simm.s32 $0x4A00;
	s21 =	simm.s32 $0x4B00  }
0x14b: {  	s19 =	simm.s32 $0x4C00;
	s22 =	simm.s32 $0x4D00;
	s26 =	simm.s32 $0x4E00  }
0x14c: {  	s14 =	simm.s32 $0x5000;
	s29 =	simm.s32 $0x5100;
	s24 =	simm.s32 $0x5200  }
.LBB2_2:
0x14d: {  	s18 =	sld [smem:$0x7F0]  }
0x14e: {  	s16 =	rddreg [dreg:$0x13];
	[sflag:s7] =	ssyncset.done @p2 $0x0  }
0x14f: {  	s17 =	rddreg [dreg:$0x4];
	[sflag:s7] =	ssyncadd.s32 @p2 $0xFFFFF000  }
0x150: {  	[tilespmem:s12], [sflag:$0x5] =	stream.strided.gather [hbm4b:s18+s5], $0x100, s6, s5, $0x38;
	[tilespmem:$0x15800] =	vst v63  }
0x151: {  	s13 =	rddreg [dreg:$0x5]  }
0x152: {  	[tilespmem:s23], [sflag:$0x5] =	stream.strided.gather [hbm4b:s17+s5], $0x100, s6, s5, $0x38;
	[tilespmem:$0x15800] =	vst v63  }
0x153: {  	s25 =	rddreg [dreg:$0x6]  }
0x154: {  	[tilespmem:s20], [sflag:$0x5] =	stream.strided.gather [hbm4b:s13+s5], $0x100, s6, s5, $0x38;
	[tilespmem:$0x15800] =	vst v63  }
0x155: {  	s8 =	rddreg [dreg:$0x8]  }
0x156: {  	[tilespmem:s21], [sflag:$0x5] =	stream.strided.gather [hbm4b:s25+s5], $0x100, s6, s5, $0x38;
	[tilespmem:$0x15800] =	vst v63  }
0x157: {  	s7 =	rddreg [dreg:$0x7]  }
0x158: {  	[tilespmem:s19], [sflag:$0x5] =	stream.strided.gather [hbm4b:s7+s5], $0x100, s6, s5, $0x38;
	[tilespmem:$0x15800] =	vst v63  }
0x159: {  	s18 =	rddreg [dreg:$0xf]  }
0x15a: {  	[tilespmem:s22], [sflag:$0x5] =	stream.strided.gather [hbm4b:s8+s5], $0x100, s6, s5, $0x38;
	[tilespmem:$0x15800] =	vst v63  }
0x15b: {  	s13 =	rddreg [dreg:$0x9]  }
0x15c: {  	[tilespmem:s26], [sflag:$0x5] =	stream.strided.gather [hbm4b:s13+s5], $0x100, s6, s5, $0x38;
	[tilespmem:$0x15800] =	vst v63  }
0x15d: {  	s25 =	rddreg [dreg:$0xa];
	s13 =	simm.s32 $0x4F00  }
0x15e: {  	[tilespmem:s13], [sflag:$0x5] =	stream.strided.gather [hbm4b:s25+s5], $0x100, s6, s5, $0x38;
	[tilespmem:$0x15800] =	vst v63  }
0x15f: {  	s7 =	rddreg [dreg:$0xb]  }
0x160: {  	[tilespmem:s14], [sflag:$0x5] =	stream.strided.gather [hbm4b:s7+s5], $0x100, s6, s5, $0x38;
	[tilespmem:$0x15800] =	vst v63  }
0x161: {  	s8 =	rddreg [dreg:$0xc]  }
0x162: {  	[tilespmem:s29], [sflag:$0x5] =	stream.strided.gather [hbm4b:s8+s5], $0x100, s6, s5, $0x38;
	[tilespmem:$0x15800] =	vst v63  }
0x163: {  	s25 =	rddreg [dreg:$0xd]  }
0x164: {  	[tilespmem:s24], [sflag:$0x5] =	stream.strided.gather [hbm4b:s25+s5], $0x100, s6, s5, $0x38;
	[tilespmem:$0x15800] =	vst v63  }
0x165: {  	s7 =	rddreg [dreg:$0xe];
	s8 =	simm.s32 $0x5300  }
0x166: {  	[tilespmem:s8], [sflag:$0x5] =	stream.strided.gather [hbm4b:s7+s5], $0x100, s6, s5, $0x38;
	[tilespmem:$0x15800] =	vst v63  }
0x167: {  	s17 =	rddreg [dreg:$0x10];
	s25 =	simm.s32 $0x5400  }
0x168: {  	[tilespmem:s25], [sflag:$0x5] =	stream.strided.gather [hbm4b:s18+s5], $0x100, s6, s5, $0x38;
	[tilespmem:$0x15800] =	vst v63  }
0x169: {  	s8 =	simm.s32 $0x5500;
	s18 =	rddreg [dreg:$0x11]  }
0x16a: {  	[tilespmem:s8], [sflag:$0x5] =	stream.strided.gather [hbm4b:s17+s5], $0x100, s6, s5, $0x38;
	[tilespmem:$0x15800] =	vst v63  }
0x16b: {  	s8 =	simm.s32 $0x5600;
	s17 =	sld [smem:$0x7F1]  }
0x16c: {  	[tilespmem:s8], [sflag:$0x5] =	stream.strided.gather [hbm4b:s18+s5], $0x100, s6, s5, $0x38;
	[tilespmem:$0x15800] =	vst v63  }
0x16d: {  	s16 =	sshrl.u32 @!p0 s16, $0x3;
	s8 =	sld [smem:$0x7FA]  }
0x16e: {  	s7 =	simm.s32 @!p0 $0x6;
	s25 =	rddreg [dreg:$0x12];
	s18 =	simm.s32 $0x5700  }
0x16f: {  	[tilespmem:s18], [sflag:$0x5] =	stream.strided.gather [hbm4b:s25+s5], $0x100, s6, s5, $0x38;
	[tilespmem:$0x15800] =	vst v63  }
0x170: {  	[spmem:s16], [sflag:s8] =	dma.local @!p0 [hbm:s17], $0x1000  }
0x171: {  	_ =	swait.ge @!p0 [sflag:s7], $0x1000  }
0x172: {  	s18 =	sld [smem:$0x7F2]  }
0x173: {  	[sflag:s7] =	ssyncset.done @!p0 $0x0  }
0x174: {  	s25 =	simm.s32 @!p1 $0x1C06;
	[sflag:s7] =	ssyncadd.s32 @!p0 $0xFFFFF000  }
0x175: {  	[spmem:s18], [sflag:s25] =	dma.local @!p1 [hbm:s17], $0x1000  }
0x176: {  	s17 =	simm.s32 @!p1 $0x6  }
0x177: {  	_ =	swait.ge @!p1 [sflag:s17], $0x1000  }
0x178: {  	[sflag:s17] =	ssyncset.done @!p1 $0x0  }
0x179: {  	[sflag:s17] =	ssyncadd.s32 @!p1 $0xFFFFF000  }
0x17a: {  	_ =	swait.ge [sflag:s30], $0x100  }
0x17b: {  	[sflag:s30] =	ssyncset.done $0x0  }
0x17c: {  	[sflag:s30] =	ssyncadd.s32 $0xFFFFFF00  }
0x17d: {  	_ =	swait.ge [sflag:s30], $0x100  }
0x17e: {  	[sflag:s30] =	ssyncset.done $0x0  }
0x17f: {  	[sflag:s30] =	ssyncadd.s32 $0xFFFFFF00  }
0x180: {  	_ =	swait.ge [sflag:s30], $0x100  }
0x181: {  	[sflag:s30] =	ssyncset.done $0x0  }
0x182: {  	[sflag:s30] =	ssyncadd.s32 $0xFFFFFF00  }
0x183: {  	_ =	swait.ge [sflag:s30], $0x100  }
0x184: {  	[sflag:s30] =	ssyncset.done $0x0  }
0x185: {  	[sflag:s30] =	ssyncadd.s32 $0xFFFFFF00  }
0x186: {  	_ =	swait.ge [sflag:s30], $0x100  }
0x187: {  	[sflag:s30] =	ssyncset.done $0x0  }
0x188: {  	[sflag:s30] =	ssyncadd.s32 $0xFFFFFF00  }
0x189: {  	_ =	swait.ge [sflag:s30], $0x100  }
0x18a: {  	[sflag:s30] =	ssyncset.done $0x0  }
0x18b: {  	[sflag:s30] =	ssyncadd.s32 $0xFFFFFF00  }
0x18c: {  	_ =	swait.ge [sflag:s30], $0x100  }
0x18d: {  	[sflag:s30] =	ssyncset.done $0x0  }
0x18e: {  	[sflag:s30] =	ssyncadd.s32 $0xFFFFFF00  }
0x18f: {  	_ =	swait.ge [sflag:s30], $0x100  }
0x190: {  	[sflag:s30] =	ssyncset.done $0x0  }
0x191: {  	[sflag:s30] =	ssyncadd.s32 $0xFFFFFF00  }
0x192: {  	_ =	swait.ge [sflag:s30], $0x100  }
0x193: {  	[sflag:s30] =	ssyncset.done $0x0  }
0x194: {  	[sflag:s30] =	ssyncadd.s32 $0xFFFFFF00  }
0x195: {  	_ =	swait.ge [sflag:s30], $0x100  }
0x196: {  	[sflag:s30] =	ssyncset.done $0x0  }
0x197: {  	[sflag:s30] =	ssyncadd.s32 $0xFFFFFF00  }
0x198: {  	_ =	swait.ge [sflag:s30], $0x100  }
0x199: {  	[sflag:s30] =	ssyncset.done $0x0  }
0x19a: {  	[sflag:s30] =	ssyncadd.s32 $0xFFFFFF00  }
0x19b: {  	_ =	swait.ge [sflag:s30], $0x100  }
0x19c: {  	[sflag:s30] =	ssyncset.done $0x0  }
0x19d: {  	[sflag:s30] =	ssyncadd.s32 $0xFFFFFF00  }
0x19e: {  	_ =	swait.ge [sflag:s30], $0x100  }
0x19f: {  	[sflag:s30] =	ssyncset.done $0x0  }
0x1a0: {  	[sflag:s30] =	ssyncadd.s32 $0xFFFFFF00  }
0x1a1: {  	_ =	swait.ge [sflag:s30], $0x100  }
0x1a2: {  	[sflag:s30] =	ssyncset.done $0x0  }
0x1a3: {  	[sflag:s30] =	ssyncadd.s32 $0xFFFFFF00  }
0x1a4: {  	_ =	swait.ge [sflag:s30], $0x100  }
0x1a5: {  	[sflag:s30] =	ssyncset.done $0x0  }
0x1a6: {  	[sflag:s30] =	ssyncadd.s32 $0xFFFFFF00  }
0x1a7: {  	_ =	swait.ge [sflag:s30], $0x100  }
0x1a8: {  	[sflag:s30] =	ssyncset.done $0x0  }
0x1a9: {  	[sflag:s30] =	ssyncadd.s32 $0xFFFFFF00  }
0x1aa: {  	[bflag:$0x0] =	sbarrier.arrive $0xFFFF  }
0x1ab: {  	s25 =	rddreg [dreg:$0x14]  }
0x1ac: {  	[tilespmem:s1], [sflag:$0x1] =	stream.strided.gather [hbm4b:s25+s6], $0x8000, s31, s6, $0x38;
	[tilespmem:$0x15800] =	vst v63  }
0x1ad: {  	_ =	swait.ge [sflag:s0], $0x8000  }
0x1ae: {  	[sflag:s0] =	ssyncset.done $0x0  }
0x1af: {  	s18 =	rddreg [dreg:$0x15];
	[sflag:s0] =	ssyncadd.s32 $0xFFFF8000  }
0x1b0: {  	[tilespmem:s3], [sflag:$0x2] =	stream.strided.gather [hbm4b:s18+s6], $0x8000, s31, s6, $0x38;
	[tilespmem:$0x15800] =	vst v63  }
0x1b1: {  	_ = 	snop  }
0x1b2: {  	[spmem:s2] =	stream.indirect.scatter.add.f32 [tilespmem:s1], [sflag:$0x3], $0x80, s12, s28, $0xb8;
	[tilespmem:$0x15800] =	vst v63  }
0x1b3: {  	_ =	swait.ge [sflag:s4], $0x8000  }
0x1b4: {  	[sflag:s4] =	ssyncset.done $0x0  }
0x1b5: {  	[sflag:s4] =	ssyncadd.s32 $0xFFFF8000  }
0x1b6: {  	_ =	swait.ge [sflag:s9], $0x8000  }
0x1b7: {  	[sflag:s9] =	ssyncset.done $0x0  }
0x1b8: {  	s25 =	rddreg [dreg:$0x16];
	[sflag:s9] =	ssyncadd.s32 $0xFFFF8000  }
0x1b9: {  	[tilespmem:s1], [sflag:$0x1] =	stream.strided.gather [hbm4b:s25+s6], $0x8000, s31, s6, $0x38;
	[tilespmem:$0x15800] =	vst v63  }
0x1ba: {  	_ = 	snop  }
0x1bb: {  	[spmem:s2] =	stream.indirect.scatter.add.f32 [tilespmem:s3], [sflag:$0x4], $0x80, s23, s28, $0xb8;
	[tilespmem:$0x15800] =	vst v63  }
0x1bc: {  	_ =	swait.ge [sflag:s0], $0x8000  }
0x1bd: {  	[sflag:s0] =	ssyncset.done $0x0  }
0x1be: {  	[sflag:s0] =	ssyncadd.s32 $0xFFFF8000  }
0x1bf: {  	_ =	swait.ge [sflag:s10], $0x8000  }
0x1c0: {  	[sflag:s10] =	ssyncset.done $0x0  }
0x1c1: {  	s18 =	rddreg [dreg:$0x17];
	[sflag:s10] =	ssyncadd.s32 $0xFFFF8000  }
0x1c2: {  	[tilespmem:s3], [sflag:$0x2] =	stream.strided.gather [hbm4b:s18+s6], $0x8000, s31, s6, $0x38;
	[tilespmem:$0x15800] =	vst v63  }
0x1c3: {  	_ = 	snop  }
0x1c4: {  	[spmem:s2] =	stream.indirect.scatter.add.f32 [tilespmem:s1], [sflag:$0x3], $0x80, s20, s28, $0xb8;
	[tilespmem:$0x15800] =	vst v63  }
0x1c5: {  	_ =	swait.ge [sflag:s4], $0x8000  }
0x1c6: {  	[sflag:s4] =	ssyncset.done $0x0  }
0x1c7: {  	[sflag:s4] =	ssyncadd.s32 $0xFFFF8000  }
0x1c8: {  	_ =	swait.ge [sflag:s9], $0x8000  }
0x1c9: {  	[sflag:s9] =	ssyncset.done $0x0  }
0x1ca: {  	s25 =	rddreg [dreg:$0x18];
	[sflag:s9] =	ssyncadd.s32 $0xFFFF8000  }
0x1cb: {  	[tilespmem:s1], [sflag:$0x1] =	stream.strided.gather [hbm4b:s25+s6], $0x8000, s31, s6, $0x38;
	[tilespmem:$0x15800] =	vst v63  }
0x1cc: {  	_ = 	snop  }
0x1cd: {  	[spmem:s2] =	stream.indirect.scatter.add.f32 [tilespmem:s3], [sflag:$0x4], $0x80, s21, s28, $0xb8;
	[tilespmem:$0x15800] =	vst v63  }
0x1ce: {  	_ =	swait.ge [sflag:s0], $0x8000  }
0x1cf: {  	[sflag:s0] =	ssyncset.done $0x0  }
0x1d0: {  	[sflag:s0] =	ssyncadd.s32 $0xFFFF8000  }
0x1d1: {  	_ =	swait.ge [sflag:s10], $0x8000  }
0x1d2: {  	[sflag:s10] =	ssyncset.done $0x0  }
0x1d3: {  	s18 =	rddreg [dreg:$0x19];
	[sflag:s10] =	ssyncadd.s32 $0xFFFF8000  }
0x1d4: {  	[tilespmem:s3], [sflag:$0x2] =	stream.strided.gather [hbm4b:s18+s6], $0x8000, s31, s6, $0x38;
	[tilespmem:$0x15800] =	vst v63  }
0x1d5: {  	_ = 	snop  }
0x1d6: {  	[spmem:s2] =	stream.indirect.scatter.add.f32 [tilespmem:s1], [sflag:$0x3], $0x80, s19, s28, $0xb8;
	[tilespmem:$0x15800] =	vst v63  }
0x1d7: {  	_ =	swait.ge [sflag:s4], $0x8000  }
0x1d8: {  	[sflag:s4] =	ssyncset.done $0x0  }
0x1d9: {  	[sflag:s4] =	ssyncadd.s32 $0xFFFF8000  }
0x1da: {  	_ =	swait.ge [sflag:s9], $0x8000  }
0x1db: {  	[sflag:s9] =	ssyncset.done $0x0  }
0x1dc: {  	s25 =	rddreg [dreg:$0x1a];
	[sflag:s9] =	ssyncadd.s32 $0xFFFF8000  }
0x1dd: {  	[tilespmem:s1], [sflag:$0x1] =	stream.strided.gather [hbm4b:s25+s6], $0x8000, s31, s6, $0x38;
	[tilespmem:$0x15800] =	vst v63  }
0x1de: {  	_ = 	snop  }
0x1df: {  	[spmem:s2] =	stream.indirect.scatter.add.f32 [tilespmem:s3], [sflag:$0x4], $0x80, s22, s28, $0xb8;
	[tilespmem:$0x15800] =	vst v63  }
0x1e0: {  	_ =	swait.ge [sflag:s0], $0x8000  }
0x1e1: {  	[sflag:s0] =	ssyncset.done $0x0  }
0x1e2: {  	[sflag:s0] =	ssyncadd.s32 $0xFFFF8000  }
0x1e3: {  	_ =	swait.ge [sflag:s10], $0x8000  }
0x1e4: {  	[sflag:s10] =	ssyncset.done $0x0  }
0x1e5: {  	s18 =	rddreg [dreg:$0x1b];
	[sflag:s10] =	ssyncadd.s32 $0xFFFF8000  }
0x1e6: {  	[tilespmem:s3], [sflag:$0x2] =	stream.strided.gather [hbm4b:s18+s6], $0x8000, s31, s6, $0x38;
	[tilespmem:$0x15800] =	vst v63  }
0x1e7: {  	_ = 	snop  }
0x1e8: {  	[spmem:s2] =	stream.indirect.scatter.add.f32 [tilespmem:s1], [sflag:$0x3], $0x80, s26, s28, $0xb8;
	[tilespmem:$0x15800] =	vst v63  }
0x1e9: {  	_ =	swait.ge [sflag:s4], $0x8000  }
0x1ea: {  	[sflag:s4] =	ssyncset.done $0x0  }
0x1eb: {  	[sflag:s4] =	ssyncadd.s32 $0xFFFF8000  }
0x1ec: {  	_ =	swait.ge [sflag:s9], $0x8000  }
0x1ed: {  	[sflag:s9] =	ssyncset.done $0x0  }
0x1ee: {  	s25 =	rddreg [dreg:$0x1c];
	[sflag:s9] =	ssyncadd.s32 $0xFFFF8000  }
0x1ef: {  	[tilespmem:s1], [sflag:$0x1] =	stream.strided.gather [hbm4b:s25+s6], $0x8000, s31, s6, $0x38;
	[tilespmem:$0x15800] =	vst v63  }
0x1f0: {  	_ = 	snop  }
0x1f1: {  	[spmem:s2] =	stream.indirect.scatter.add.f32 [tilespmem:s3], [sflag:$0x4], $0x80, s13, s28, $0xb8;
	[tilespmem:$0x15800] =	vst v63  }
0x1f2: {  	_ =	swait.ge [sflag:s0], $0x8000  }
0x1f3: {  	[sflag:s0] =	ssyncset.done $0x0  }
0x1f4: {  	[sflag:s0] =	ssyncadd.s32 $0xFFFF8000  }
0x1f5: {  	_ =	swait.ge [sflag:s10], $0x8000  }
0x1f6: {  	[sflag:s10] =	ssyncset.done $0x0  }
0x1f7: {  	s18 =	rddreg [dreg:$0x1d];
	[sflag:s10] =	ssyncadd.s32 $0xFFFF8000  }
0x1f8: {  	[tilespmem:s3], [sflag:$0x2] =	stream.strided.gather [hbm4b:s18+s6], $0x8000, s31, s6, $0x38;
	[tilespmem:$0x15800] =	vst v63  }
0x1f9: {  	_ = 	snop  }
0x1fa: {  	[spmem:s2] =	stream.indirect.scatter.add.f32 [tilespmem:s1], [sflag:$0x3], $0x80, s14, s28, $0xb8;
	[tilespmem:$0x15800] =	vst v63  }
0x1fb: {  	_ =	swait.ge [sflag:s4], $0x8000  }
0x1fc: {  	[sflag:s4] =	ssyncset.done $0x0  }
0x1fd: {  	[sflag:s4] =	ssyncadd.s32 $0xFFFF8000  }
0x1fe: {  	_ =	swait.ge [sflag:s9], $0x8000  }
0x1ff: {  	[sflag:s9] =	ssyncset.done $0x0  }
0x200: {  	s25 =	rddreg [dreg:$0x1e];
	[sflag:s9] =	ssyncadd.s32 $0xFFFF8000  }
0x201: {  	[tilespmem:s1], [sflag:$0x1] =	stream.strided.gather [hbm4b:s25+s6], $0x8000, s31, s6, $0x38;
	[tilespmem:$0x15800] =	vst v63  }
0x202: {  	_ = 	snop  }
0x203: {  	[spmem:s2] =	stream.indirect.scatter.add.f32 [tilespmem:s3], [sflag:$0x4], $0x80, s29, s28, $0xb8;
	[tilespmem:$0x15800] =	vst v63  }
0x204: {  	_ =	swait.ge [sflag:s0], $0x8000  }
0x205: {  	[sflag:s0] =	ssyncset.done $0x0  }
0x206: {  	[sflag:s0] =	ssyncadd.s32 $0xFFFF8000  }
0x207: {  	_ =	swait.ge [sflag:s10], $0x8000  }
0x208: {  	[sflag:s10] =	ssyncset.done $0x0  }
0x209: {  	s13 =	rddreg [dreg:$0x1f];
	[sflag:s10] =	ssyncadd.s32 $0xFFFF8000  }
0x20a: {  	[tilespmem:s3], [sflag:$0x2] =	stream.strided.gather [hbm4b:s13+s6], $0x8000, s31, s6, $0x38;
	[tilespmem:$0x15800] =	vst v63  }
0x20b: {  	_ = 	snop  }
0x20c: {  	[spmem:s2] =	stream.indirect.scatter.add.f32 [tilespmem:s1], [sflag:$0x3], $0x80, s24, s28, $0xb8;
	[tilespmem:$0x15800] =	vst v63  }
0x20d: {  	_ =	swait.ge [sflag:s4], $0x8000  }
0x20e: {  	[sflag:s4] =	ssyncset.done $0x0  }
0x20f: {  	[sflag:s4] =	ssyncadd.s32 $0xFFFF8000  }
0x210: {  	_ =	swait.ge [sflag:s9], $0x8000  }
0x211: {  	s18 =	sld [smem:$0x7F3]  }
0x212: {  	[sflag:s9] =	ssyncset.done $0x0  }
0x213: {  	[sflag:s9] =	ssyncadd.s32 $0xFFFF8000  }
0x214: {  	[tilespmem:s1], [sflag:$0x1] =	stream.strided.gather [hbm4b:s18+s6], $0x8000, s31, s6, $0x38;
	[tilespmem:$0x15800] =	vst v63  }
0x215: {  	s25 =	simm.s32 $0x5300  }
0x216: {  	[spmem:s2] =	stream.indirect.scatter.add.f32 [tilespmem:s3], [sflag:$0x4], $0x80, s25, s28, $0xb8;
	[tilespmem:$0x15800] =	vst v63  }
0x217: {  	_ =	swait.ge [sflag:s0], $0x8000  }
0x218: {  	[sflag:s0] =	ssyncset.done $0x0  }
0x219: {  	[sflag:s0] =	ssyncadd.s32 $0xFFFF8000  }
0x21a: {  	_ =	swait.ge [sflag:s10], $0x8000  }
0x21b: {  	s13 =	sld [smem:$0x7F4]  }
0x21c: {  	[sflag:s10] =	ssyncset.done $0x0  }
0x21d: {  	[sflag:s10] =	ssyncadd.s32 $0xFFFF8000  }
0x21e: {  	[tilespmem:s3], [sflag:$0x2] =	stream.strided.gather [hbm4b:s13+s6], $0x8000, s31, s6, $0x38;
	[tilespmem:$0x15800] =	vst v63  }
0x21f: {  	s17 =	simm.s32 $0x5400  }
0x220: {  	[spmem:s2] =	stream.indirect.scatter.add.f32 [tilespmem:s1], [sflag:$0x3], $0x80, s17, s28, $0xb8;
	[tilespmem:$0x15800] =	vst v63  }
0x221: {  	_ =	swait.ge [sflag:s4], $0x8000  }
0x222: {  	[sflag:s4] =	ssyncset.done $0x0  }
0x223: {  	[sflag:s4] =	ssyncadd.s32 $0xFFFF8000  }
0x224: {  	_ =	swait.ge [sflag:s9], $0x8000  }
0x225: {  	s18 =	sld [smem:$0x7F5]  }
0x226: {  	[sflag:s9] =	ssyncset.done $0x0  }
0x227: {  	[sflag:s9] =	ssyncadd.s32 $0xFFFF8000  }
0x228: {  	[tilespmem:s1], [sflag:$0x1] =	stream.strided.gather [hbm4b:s18+s6], $0x8000, s31, s6, $0x38;
	[tilespmem:$0x15800] =	vst v63  }
0x229: {  	s25 =	simm.s32 $0x5500  }
0x22a: {  	[spmem:s2] =	stream.indirect.scatter.add.f32 [tilespmem:s3], [sflag:$0x4], $0x80, s25, s28, $0xb8;
	[tilespmem:$0x15800] =	vst v63  }
0x22b: {  	_ =	swait.ge [sflag:s0], $0x8000  }
0x22c: {  	[sflag:s0] =	ssyncset.done $0x0  }
0x22d: {  	[sflag:s0] =	ssyncadd.s32 $0xFFFF8000  }
0x22e: {  	_ =	swait.ge [sflag:s10], $0x8000  }
0x22f: {  	s13 =	sld [smem:$0x7F6]  }
0x230: {  	[sflag:s10] =	ssyncset.done $0x0  }
0x231: {  	[sflag:s10] =	ssyncadd.s32 $0xFFFF8000  }
0x232: {  	[tilespmem:s3], [sflag:$0x2] =	stream.strided.gather [hbm4b:s13+s6], $0x8000, s31, s6, $0x38;
	[tilespmem:$0x15800] =	vst v63  }
0x233: {  	s17 =	simm.s32 $0x5600  }
0x234: {  	[spmem:s2] =	stream.indirect.scatter.add.f32 [tilespmem:s1], [sflag:$0x3], $0x80, s17, s28, $0xb8;
	[tilespmem:$0x15800] =	vst v63  }
0x235: {  	_ =	swait.ge [sflag:s4], $0x8000  }
0x236: {  	[sflag:s4] =	ssyncset.done $0x0  }
0x237: {  	s18 =	simm.s32 $0x5700;
	[sflag:s4] =	ssyncadd.s32 $0xFFFF8000  }
0x238: {  	[spmem:s2] =	stream.indirect.scatter.add.f32 [tilespmem:s3], [sflag:$0x4], $0x80, s18, s28, $0xb8;
	[tilespmem:$0x15800] =	vst v63  }
0x239: {  	_ =	swait.ge [sflag:s9], $0x8000  }
0x23a: {  	[sflag:s9] =	ssyncset.done $0x0  }
0x23b: {  	[sflag:s9] =	ssyncadd.s32 $0xFFFF8000  }
0x23c: {  	_ =	swait.ge [sflag:s10], $0x8000  }
0x23d: {  	[sflag:s10] =	ssyncset.done $0x0  }
0x23e: {  	s13 =	simm.s32 $0x0;
	s25 =	rddreg [dreg:$0x3];
	[sflag:s10] =	ssyncadd.s32 $0xFFFF8000  }
0x23f: {  	[tilespmem:s1], [sflag:$0x6] =	stream.linear.gather [hbm4b:s25+s13], $0x8000, $0x38;
	[tilespmem:$0x15800] =	vst v63  }
0x240: {  	_ =	swait.ge [sflag:s11], $0x8000  }
0x241: {  	s18 =	sld [smem:$0x7F7]  }
0x242: {  	[sflag:s11] =	ssyncset.done $0x0  }
0x243: {  	[sflag:s11] =	ssyncadd.s32 $0xFFFF8000  }
0x244: {  	[tilespmem:s12], [sflag:$0x6] =	stream.strided.gather [hbm4b:s18+s5], $0x100, s6, s5, $0x38;
	[tilespmem:$0x15800] =	vst v63  }
0x245: {  	_ =	swait.ge [sflag:s11], $0x100  }
0x246: {  	[sflag:s11] =	ssyncset.done $0x0  }
0x247: {  	[sflag:s11] =	ssyncadd.s32 $0xFFFFFF00  }
0x248: {  	[spmem:s2] =	stream.indirect.scatter.add.f32 [tilespmem:s1], [sflag:$0x6], $0x80, s12, s28, $0xb8;
	[tilespmem:$0x15800] =	vst v63  }
0x249: {  	_ =	swait.ge [sflag:s11], $0x8000  }
0x24a: {  	s25 =	sld [smem:$0x7F8]  }
0x24b: {  	[sflag:s11] =	ssyncset.done $0x0  }
0x24c: {  	[sflag:s11] =	ssyncadd.s32 $0xFFFF8000  }
0x24d: {  	[tilespmem:s23], [sflag:$0x6] =	stream.strided.gather [hbm4b:s25+s5], $0x100, s6, s5, $0x38;
	[tilespmem:$0x15800] =	vst v63  }
0x24e: {  	_ =	swait.ge [sflag:s11], $0x100  }
0x24f: {  	[sflag:s11] =	ssyncset.done $0x0  }
0x250: {  	[sflag:s11] =	ssyncadd.s32 $0xFFFFFF00  }
0x251: {  	[spmem:s2] =	stream.indirect.scatter.add.f32 [tilespmem:s1], [sflag:$0x6], $0x80, s23, s28, $0xb8;
	[tilespmem:$0x15800] =	vst v63  }
0x252: {  	_ =	swait.ge [sflag:s11], $0x8000  }
0x253: {  	[sflag:s11] =	ssyncset.done $0x0  }
0x254: {  	[sflag:s11] =	ssyncadd.s32 $0xFFFF8000  }
0x255: {  	[bflag:$0x0] =	sbarrier.arrive $0xFFFF  }
0x256: {  	s17 =	sld [smem:$0x7F9];
	_ =	sdelay $0x2  }
0x257: {  	[hbm:s17], [sflag:s8] =	dma.local @!p0 [spmem:s16], $0x1000  }
0x258: {  	_ =	swait.ge @!p0 [sflag:s7], $0x1000  }
0x259: {  	s16 =	sld [smem:$0x7FB]  }
0x25a: {  	s15 =	sadd.s32 $0xFFFFFFFF, s15;
	[sflag:s7] =	ssyncset.done @!p0 $0x0;
	s8 =	sld [smem:$0x7FD]  }
0x25b: {  	p3 =	sne.s32 s15, $0x0;
	[sflag:s7] =	ssyncadd.s32 @!p0 $0xFFFFF000;
	s7 =	sld [smem:$0x7FC]  }
.Ltmp1:
0x25c: {  	_ = 	snop;
	(pc) =	sbr.rel @p3 .LBB2_2-.Ltmp1, $4  }
0x25d: {  	_ = 	snop  }
0x25e: {  	[hbm:s16], [sflag:s7] =	dma.local @p2 [spmem:s8], $0x1000  }
0x25f: {  	s7 =	simm.s32 @p2 $0x6  }
0x260: {  	_ =	swait.ge @p2 [sflag:s7], $0x1000  }
.LBB2_3:
0x261: {  	[sflag:s7] =	ssyncset.done @p2 $0x0  }
0x262: {  	[sflag:s7] =	ssyncadd.s32 @p2 $0xFFFFF000  }
0x263: {  	_ =	sfence.sel $0x180000  }
0x264: {  	[bflag:$0x0] =	sbarrier.arrive $0xFFFF  }
0x265: {  	_ =	strace $0x90000047  }
0x266: {  	s0 =	stileid.u32;
	[bflag:$0x2] =	sbarrier.arrive $0xFFFF  }
0x267: {  	p0 =	sne.s32 s0, $0x0;
	s0 =	rddreg [dreg:$0x2]  }
0x268: {  	s0 =	sadd.s32 @!p0 $0x100000, s0  }
0x269: {  	[sflag:s0] =	ssyncadd.tile.s32 @!p0 $0x1;
	_ =	shalt  }
.Lfunc_end2:
_tile_overlayer_lowered:
.L_overlay_start_2:
0x26a: {  	(tag) =	ssettag $0x2  }
0x26b: {  	s0 =	rddreg [dreg:$0x0];
	s2 =	stileid.u32  }
0x26c: {  	s1 =	rddreg [dreg:$0x1];
	p0 =	sne.s32 s2, $0x0  }
0x26d: {  	s3 =	rddreg [dreg:$0x2];
	[bflag:$0x3] =	sbarrier.arrive $0xFFFF;
	s2 =	simm.s32 @!p0 $0x1C06  }
0x26e: {  	[timem:s3], [sflag:s2] =	dma.local @!p0 [hbm:s0], s1  }
0x26f: {  	s0 =	simm.s32 @!p0 $0x6  }
0x270: {  	_ =	swait.ge @!p0 [sflag:s0], s1  }
0x271: {  	s1 =	ssub.s32 @!p0 $0x0, s1;
	[sflag:s0] =	ssyncset.done @!p0 $0x0  }
0x272: {  	[sflag:s0] =	ssyncadd.s32 @!p0 s1  }
0x273: {  	[bflag:$0x3] =	sbarrier.arrive $0xFFFF  }
0x274: {  	_ =	shalt  }

</sc_bundles>
